<compile_context>
chip_gen: v7x
topology: tpu7x:2x2x1
jax: 0.10.2.dev20260603
libtpu: 0.0.44.dev20260713+nightly
codegen_flags: <defaults>
</compile_context>

<pallas_src>
import functools

import jax
import jax.numpy as jnp
from jax import lax
from jax.experimental import pallas as pl
from jax.experimental.pallas import tpu as pltpu
from jax.experimental.pallas import tpu_sc as plsc

_VOCAB_BLOCK = 2000
_NC, _NS = 2, 16
_NW = _NC * _NS
_CHUNK = 128


def _proj_body(e_ref, w_ref, o_ref):
    o_ref[...] = lax.dot_general(
        e_ref[...], w_ref[...],
        dimension_numbers=(((1,), (1,)), ((), ())),
        preferred_element_type=jnp.float32)


def _project_table(embed_table, W):
    V, D_in = embed_table.shape
    D_out = W.shape[0]
    return pl.pallas_call(
        _proj_body,
        grid=(V // _VOCAB_BLOCK,),
        in_specs=[
            pl.BlockSpec((_VOCAB_BLOCK, D_in), lambda i: (i, 0)),
            pl.BlockSpec((D_out, D_in), lambda i: (0, 0)),
        ],
        out_specs=pl.BlockSpec((_VOCAB_BLOCK, D_out), lambda i: (i, 0)),
        out_shape=jax.ShapeDtypeStruct((V, D_out), jnp.float32),
    )(embed_table, W)


_COMPACT_BLOCK = 4096


def _compact_body(i_ref, o_ref):
    o_ref[...] = i_ref[:, :o_ref.shape[1]]


def _compact(out_pad, d_out):
    B, D_pad = out_pad.shape
    return pl.pallas_call(
        _compact_body,
        grid=(B // _COMPACT_BLOCK,),
        in_specs=[pl.BlockSpec((_COMPACT_BLOCK, D_pad), lambda i: (i, 0))],
        out_specs=pl.BlockSpec((_COMPACT_BLOCK, d_out), lambda i: (i, 0)),
        out_shape=jax.ShapeDtypeStruct((B, d_out), jnp.float32),
    )(out_pad)


def _gather_rows(table, idx_flat):
    B = idx_flat.shape[0]
    D_pad = table.shape[1]
    b_per_w = B // _NW
    n_chunks = b_per_w // _CHUNK
    mesh = plsc.VectorSubcoreMesh(core_axis_name="c", subcore_axis_name="s")

    @functools.partial(
        pl.kernel,
        mesh=mesh,
        out_type=jax.ShapeDtypeStruct((B, D_pad), jnp.float32),
        scratch_types=[
            pltpu.VMEM((b_per_w,), jnp.int32),
            pltpu.VMEM((_CHUNK, D_pad), jnp.float32),
            pltpu.VMEM((_CHUNK, D_pad), jnp.float32),
            pltpu.SemaphoreType.DMA,
            pltpu.SemaphoreType.DMA,
        ],
    )
    def k(table_hbm, idx_hbm, out_hbm, idx_v, rows0, rows1, sem0, sem1):
        wid = lax.axis_index("s") * _NC + lax.axis_index("c")
        base = wid * b_per_w
        bufs = ((rows0, sem0), (rows1, sem1))

        pltpu.sync_copy(idx_hbm.at[pl.ds(base, b_per_w)], idx_v)

        def idx_at(c):
            return idx_v.at[pl.ds(c * _CHUNK, _CHUNK)]

        pltpu.async_copy(table_hbm.at[idx_at(0)], rows0, sem0)

        def pair_body(p, carry):
            for b in (0, 1):
                cur, csem = bufs[b]
                nxt, nsem = bufs[1 - b]
                c = 2 * p + b

                @pl.when(c + 1 < n_chunks)
                def _():
                    pltpu.async_copy(table_hbm.at[idx_at(c + 1)], nxt, nsem)

                pltpu.make_async_copy(table_hbm.at[idx_at(c)], cur,
                                      csem).wait()
                pltpu.sync_copy(cur, out_hbm.at[pl.ds(base + c * _CHUNK,
                                                      _CHUNK)])
            return carry

        lax.fori_loop(0, n_chunks // 2, pair_body, 0)

    return k(table, idx_flat)


def kernel(x, embed_table, W):
    B, L = x.shape
    D_out = W.shape[0]
    d_pad = (-D_out) % 128
    W_pad = jnp.pad(W, ((0, d_pad), (0, 0)))
    proj = _project_table(embed_table, W_pad)
    out_pad = _gather_rows(proj, x.reshape(-1).astype(jnp.int32))
    return out_pad[:, :D_out].reshape(B, L, D_out)

# --- scband reference (transcript-rebuilt; emitter-appended) ---
"""Pipeline reference for scband-projection-net-47897475285308 (READ-ONLY COPY).

The authoritative reference and input builder live on the scoring server;
editing this copy changes nothing except your own understanding.
"""

import jax, jax.numpy as jnp
import numpy as np

GLOVE_DIM = 300
PROJECTION_DIM = 300
VOCAB = 100000
B, L = 4096, 200


def setup_inputs(seed: int = 0) -> dict:
    key = jax.random.key(seed)
    k1, k2, k3 = jax.random.split(key, 3)
    x = jax.random.randint(k1, (B, L), 0, VOCAB)
    embed_table = jax.random.normal(k2, (VOCAB, GLOVE_DIM), dtype=jnp.float32) * 0.1
    # nn.Linear(GLOVE_DIM, PROJECTION_DIM, bias=False) weight shape: [out, in]
    W = jax.random.normal(k3, (PROJECTION_DIM, GLOVE_DIM), dtype=jnp.float32) * 0.01
    return {"x": x, "embed_table": embed_table, "W": W}


def reference(x, embed_table, W):
    batch_size = x.shape[0]
    embeds = jnp.take(embed_table, x, axis=0)          # [B, L, GLOVE_DIM]
    embeds = embeds.reshape(-1, GLOVE_DIM)             # [B*L, GLOVE_DIM]
    result = embeds @ W.T                              # [B*L, PROJECTION_DIM]
    result = result.reshape(batch_size, -1, PROJECTION_DIM)
    return result

if __name__ == "__main__":
    import jax
    _d = setup_inputs()
    print(jax.jit(kernel)(*tuple(_d.values())))

</pallas_src>

<mosaic_0001>
#map = affine_map<(d0, d1) -> (0, 0)>
#map1 = affine_map<(d0, d1) -> (0)>
module attributes {stable_mosaic.version = 14 : i64} {
  func.func @k(%arg0: i32, %arg1: i32, %arg2: memref<100000x384xf32, #tpu.memory_space<hbm>>, %arg3: memref<819200xi32, #tpu.memory_space<hbm>>, %arg4: memref<819200x384xf32, #tpu.memory_space<hbm>>, %arg5: memref<25600xi32, #tpu.memory_space<vmem>>, %arg6: memref<128x384xf32, #tpu.memory_space<vmem>>, %arg7: memref<128x384xf32, #tpu.memory_space<vmem>>, %arg8: memref<!tpu.dma_semaphore, #tpu.memory_space<semaphore_mem>>, %arg9: memref<!tpu.dma_semaphore, #tpu.memory_space<semaphore_mem>>) attributes {dimension_semantics = [#tpu.dimension_semantics<core_parallel>, #tpu.dimension_semantics<subcore_parallel>], iteration_bounds = array<i64: 2, 16>, scalar_prefetch = 0 : i64, scratch_operands = 5 : i64, tpu.core_type = #tpu.core_type<sc_vector_subcore>, window_params = [{transform_indices = #map}, {transform_indices = #map1}, {transform_indices = #map}]} {
    %mul3A = arith.constant 2 : i32
    %mul3A_0 = arith.muli %arg1, %mul3A : i32
    %add3A = arith.addi %mul3A_0, %arg0 : i32
    %mul3A_1 = arith.constant 25600 : i32
    %mul3A_2 = arith.muli %add3A, %mul3A_1 : i32
    "tpu.region"() ({
      %run_scoped3A = tpu.sem_alloc : memref<!tpu.dma_semaphore, #tpu.memory_space<semaphore_mem>>
      %dma_start3A_12 = tpu.memref_slice %arg3[%mul3A_2] : memref<819200xi32, #tpu.memory_space<hbm>> -> memref<25600xi32, #tpu.memory_space<hbm>>
      %dma_start3A_13 = tpu.memref_slice %arg3[%mul3A_2] : memref<819200xi32, #tpu.memory_space<hbm>> -> memref<25600xi32, #tpu.memory_space<hbm>>
      tpu.enqueue_dma source(%dma_start3A_13 : memref<25600xi32, #tpu.memory_space<hbm>>) target(%arg5 : memref<25600xi32, #tpu.memory_space<vmem>>) target_semaphore(%run_scoped3A : memref<!tpu.dma_semaphore, #tpu.memory_space<semaphore_mem>>)
      %dma_wait3A = tpu.memref_slice %arg3[%mul3A_2] : memref<819200xi32, #tpu.memory_space<hbm>> -> memref<25600xi32, #tpu.memory_space<hbm>>
      %dma_wait3A_14 = tpu.memref_slice %arg3[%mul3A_2] : memref<819200xi32, #tpu.memory_space<hbm>> -> memref<25600xi32, #tpu.memory_space<hbm>>
      tpu.wait_dma2 semaphore(%run_scoped3A : memref<!tpu.dma_semaphore, #tpu.memory_space<semaphore_mem>>) src(%dma_wait3A_14 : memref<25600xi32, #tpu.memory_space<hbm>>) dst(%arg5 : memref<25600xi32, #tpu.memory_space<vmem>>)
      tpu.yield
    }) : () -> ()
    %dma_start3A = arith.constant 0 : i32
    %dma_start3A_3 = tpu.memref_slice %arg5[%dma_start3A] : memref<25600xi32, #tpu.memory_space<vmem>> -> memref<128xi32, #tpu.memory_space<vmem>>
    %dma_start3A_4 = arith.constant 0 : i32
    %dma_start3A_5 = arith.constant 0 : i32
    %dma_start3A_6 = tpu.memref_slice %arg2[%dma_start3A_4, %dma_start3A_5] : memref<100000x384xf32, #tpu.memory_space<hbm>> -> memref<100000x384xf32, #tpu.memory_space<hbm>>
    tpu.enqueue_indirect_dma source(%dma_start3A_6 : memref<100000x384xf32, #tpu.memory_space<hbm>>) target(%arg6 : memref<128x384xf32, #tpu.memory_space<vmem>>) offsets(%dma_start3A_3 : memref<128xi32, #tpu.memory_space<vmem>>) semaphore(%arg8 : memref<!tpu.dma_semaphore, #tpu.memory_space<semaphore_mem>>)
    %scan3A = arith.constant 0 : i32
    %scan3A_7 = arith.constant 0 : i32
    %scan3A_8 = arith.constant 100 : i32
    %scan3A_9 = arith.addi %scan3A_7, %scan3A_8 : i32
    %scan3A_10 = arith.constant 1 : i32
    scf.for %scan3A_12 = %scan3A_7 to %scan3A_9 step %scan3A_10  : i32 {
      %mul3A_13 = arith.constant 2 : i32
      %mul3A_14 = arith.muli %mul3A_13, %scan3A_12 : i32
      %add3A_15 = arith.constant 0 : i32
      %add3A_16 = arith.addi %mul3A_14, %add3A_15 : i32
      %add3A_17 = arith.constant 1 : i32
      %add3A_18 = arith.addi %add3A_16, %add3A_17 : i32
      %lt3A = arith.constant 200 : i32
      %lt3A_19 = arith.cmpi slt, %add3A_18, %lt3A : i32
      %convert_element_type3A = arith.extui %lt3A_19 : i1 to i32
      %cond3A = arith.constant 0 : i32
      %cond3A_20 = arith.cmpi ne, %convert_element_type3A, %cond3A : i32
      scf.if %cond3A_20 {
        %add3A_49 = arith.constant 1 : i32
        %add3A_50 = arith.addi %add3A_16, %add3A_49 : i32
        %mul3A_51 = arith.constant 128 : i32
        %mul3A_52 = arith.muli %add3A_50, %mul3A_51 : i32
        %dma_start3A_53 = tpu.memref_slice %arg5[%mul3A_52] : memref<25600xi32, #tpu.memory_space<vmem>> -> memref<128xi32, #tpu.memory_space<vmem>>
        %dma_start3A_54 = arith.constant 0 : i32
        %dma_start3A_55 = arith.constant 0 : i32
        %dma_start3A_56 = tpu.memref_slice %arg2[%dma_start3A_54, %dma_start3A_55] : memref<100000x384xf32, #tpu.memory_space<hbm>> -> memref<100000x384xf32, #tpu.memory_space<hbm>>
        tpu.enqueue_indirect_dma source(%dma_start3A_56 : memref<100000x384xf32, #tpu.memory_space<hbm>>) target(%arg7 : memref<128x384xf32, #tpu.memory_space<vmem>>) offsets(%dma_start3A_53 : memref<128xi32, #tpu.memory_space<vmem>>) semaphore(%arg9 : memref<!tpu.dma_semaphore, #tpu.memory_space<semaphore_mem>>)
      } else {
      }
      %mul3A_21 = arith.constant 128 : i32
      %mul3A_22 = arith.muli %add3A_16, %mul3A_21 : i32
      %dma_wait3A = tpu.memref_slice %arg5[%mul3A_22] : memref<25600xi32, #tpu.memory_space<vmem>> -> memref<128xi32, #tpu.memory_space<vmem>>
      %dma_wait3A_23 = arith.constant 0 : i32
      %dma_wait3A_24 = arith.constant 0 : i32
      %dma_wait3A_25 = tpu.memref_slice %arg2[%dma_wait3A_23, %dma_wait3A_24] : memref<100000x384xf32, #tpu.memory_space<hbm>> -> memref<100000x384xf32, #tpu.memory_space<hbm>>
      tpu.wait_indirect_dma semaphore(%arg8 : memref<!tpu.dma_semaphore, #tpu.memory_space<semaphore_mem>>) src(%dma_wait3A_25 : memref<100000x384xf32, #tpu.memory_space<hbm>>) dst(%arg6 : memref<128x384xf32, #tpu.memory_space<vmem>>)
      %mul3A_26 = arith.constant 128 : i32
      %mul3A_27 = arith.muli %add3A_16, %mul3A_26 : i32
      %add3A_28 = arith.addi %mul3A_2, %mul3A_27 : i32
      "tpu.region"() ({
        %run_scoped3A = tpu.sem_alloc : memref<!tpu.dma_semaphore, #tpu.memory_space<semaphore_mem>>
        %dma_start3A_49 = arith.constant 0 : i32
        %dma_start3A_50 = tpu.memref_slice %arg4[%add3A_28, %dma_start3A_49] : memref<819200x384xf32, #tpu.memory_space<hbm>> -> memref<128x384xf32, #tpu.memory_space<hbm>>
        %dma_start3A_51 = arith.constant 0 : i32
        %dma_start3A_52 = tpu.memref_slice %arg4[%add3A_28, %dma_start3A_51] : memref<819200x384xf32, #tpu.memory_space<hbm>> -> memref<128x384xf32, #tpu.memory_space<hbm>>
        tpu.enqueue_dma source(%arg6 : memref<128x384xf32, #tpu.memory_space<vmem>>) target(%dma_start3A_52 : memref<128x384xf32, #tpu.memory_space<hbm>>) target_semaphore(%run_scoped3A : memref<!tpu.dma_semaphore, #tpu.memory_space<semaphore_mem>>)
        %dma_wait3A_53 = arith.constant 0 : i32
        %dma_wait3A_54 = tpu.memref_slice %arg4[%add3A_28, %dma_wait3A_53] : memref<819200x384xf32, #tpu.memory_space<hbm>> -> memref<128x384xf32, #tpu.memory_space<hbm>>
        %dma_wait3A_55 = arith.constant 0 : i32
        %dma_wait3A_56 = tpu.memref_slice %arg4[%add3A_28, %dma_wait3A_55] : memref<819200x384xf32, #tpu.memory_space<hbm>> -> memref<128x384xf32, #tpu.memory_space<hbm>>
        tpu.wait_dma2 semaphore(%run_scoped3A : memref<!tpu.dma_semaphore, #tpu.memory_space<semaphore_mem>>) src(%arg6 : memref<128x384xf32, #tpu.memory_space<vmem>>) dst(%dma_wait3A_56 : memref<128x384xf32, #tpu.memory_space<hbm>>)
        tpu.yield
      }) : () -> ()
      %mul3A_29 = arith.constant 2 : i32
      %mul3A_30 = arith.muli %mul3A_29, %scan3A_12 : i32
      %add3A_31 = arith.constant 1 : i32
      %add3A_32 = arith.addi %mul3A_30, %add3A_31 : i32
      %add3A_33 = arith.constant 1 : i32
      %add3A_34 = arith.addi %add3A_32, %add3A_33 : i32
      %lt3A_35 = arith.constant 200 : i32
      %lt3A_36 = arith.cmpi slt, %add3A_34, %lt3A_35 : i32
      %convert_element_type3A_37 = arith.extui %lt3A_36 : i1 to i32
      %cond3A_38 = arith.constant 0 : i32
      %cond3A_39 = arith.cmpi ne, %convert_element_type3A_37, %cond3A_38 : i32
      scf.if %cond3A_39 {
        %add3A_49 = arith.constant 1 : i32
        %add3A_50 = arith.addi %add3A_32, %add3A_49 : i32
        %mul3A_51 = arith.constant 128 : i32
        %mul3A_52 = arith.muli %add3A_50, %mul3A_51 : i32
        %dma_start3A_53 = tpu.memref_slice %arg5[%mul3A_52] : memref<25600xi32, #tpu.memory_space<vmem>> -> memref<128xi32, #tpu.memory_space<vmem>>
        %dma_start3A_54 = arith.constant 0 : i32
        %dma_start3A_55 = arith.constant 0 : i32
        %dma_start3A_56 = tpu.memref_slice %arg2[%dma_start3A_54, %dma_start3A_55] : memref<100000x384xf32, #tpu.memory_space<hbm>> -> memref<100000x384xf32, #tpu.memory_space<hbm>>
        tpu.enqueue_indirect_dma source(%dma_start3A_56 : memref<100000x384xf32, #tpu.memory_space<hbm>>) target(%arg6 : memref<128x384xf32, #tpu.memory_space<vmem>>) offsets(%dma_start3A_53 : memref<128xi32, #tpu.memory_space<vmem>>) semaphore(%arg8 : memref<!tpu.dma_semaphore, #tpu.memory_space<semaphore_mem>>)
      } else {
      }
      %mul3A_40 = arith.constant 128 : i32
      %mul3A_41 = arith.muli %add3A_32, %mul3A_40 : i32
      %dma_wait3A_42 = tpu.memref_slice %arg5[%mul3A_41] : memref<25600xi32, #tpu.memory_space<vmem>> -> memref<128xi32, #tpu.memory_space<vmem>>
      %dma_wait3A_43 = arith.constant 0 : i32
      %dma_wait3A_44 = arith.constant 0 : i32
      %dma_wait3A_45 = tpu.memref_slice %arg2[%dma_wait3A_43, %dma_wait3A_44] : memref<100000x384xf32, #tpu.memory_space<hbm>> -> memref<100000x384xf32, #tpu.memory_space<hbm>>
      tpu.wait_indirect_dma semaphore(%arg9 : memref<!tpu.dma_semaphore, #tpu.memory_space<semaphore_mem>>) src(%dma_wait3A_45 : memref<100000x384xf32, #tpu.memory_space<hbm>>) dst(%arg7 : memref<128x384xf32, #tpu.memory_space<vmem>>)
      %mul3A_46 = arith.constant 128 : i32
      %mul3A_47 = arith.muli %add3A_32, %mul3A_46 : i32
      %add3A_48 = arith.addi %mul3A_2, %mul3A_47 : i32
      "tpu.region"() ({
        %run_scoped3A = tpu.sem_alloc : memref<!tpu.dma_semaphore, #tpu.memory_space<semaphore_mem>>
        %dma_start3A_49 = arith.constant 0 : i32
        %dma_start3A_50 = tpu.memref_slice %arg4[%add3A_48, %dma_start3A_49] : memref<819200x384xf32, #tpu.memory_space<hbm>> -> memref<128x384xf32, #tpu.memory_space<hbm>>
        %dma_start3A_51 = arith.constant 0 : i32
        %dma_start3A_52 = tpu.memref_slice %arg4[%add3A_48, %dma_start3A_51] : memref<819200x384xf32, #tpu.memory_space<hbm>> -> memref<128x384xf32, #tpu.memory_space<hbm>>
        tpu.enqueue_dma source(%arg7 : memref<128x384xf32, #tpu.memory_space<vmem>>) target(%dma_start3A_52 : memref<128x384xf32, #tpu.memory_space<hbm>>) target_semaphore(%run_scoped3A : memref<!tpu.dma_semaphore, #tpu.memory_space<semaphore_mem>>)
        %dma_wait3A_53 = arith.constant 0 : i32
        %dma_wait3A_54 = tpu.memref_slice %arg4[%add3A_48, %dma_wait3A_53] : memref<819200x384xf32, #tpu.memory_space<hbm>> -> memref<128x384xf32, #tpu.memory_space<hbm>>
        %dma_wait3A_55 = arith.constant 0 : i32
        %dma_wait3A_56 = tpu.memref_slice %arg4[%add3A_48, %dma_wait3A_55] : memref<819200x384xf32, #tpu.memory_space<hbm>> -> memref<128x384xf32, #tpu.memory_space<hbm>>
        tpu.wait_dma2 semaphore(%run_scoped3A : memref<!tpu.dma_semaphore, #tpu.memory_space<semaphore_mem>>) src(%arg7 : memref<128x384xf32, #tpu.memory_space<vmem>>) dst(%dma_wait3A_56 : memref<128x384xf32, #tpu.memory_space<hbm>>)
        tpu.yield
      }) : () -> ()
    }
    %scan3A_11 = arith.constant 100 : i32
    return
  }
}

module attributes {stable_mosaic.version = 14 : i64} {
  func.func @_proj_body(%arg0: i32, %arg1: memref<2000x300xf32, #tpu.memory_space<vmem>>, %arg2: memref<384x300xf32, #tpu.memory_space<vmem>>, %arg3: memref<2000x384xf32, #tpu.memory_space<vmem>>) attributes {dimension_semantics = [#tpu.dimension_semantics<arbitrary>], iteration_bounds = array<i64: 50>, scalar_prefetch = 0 : i64, scratch_operands = 0 : i64, tpu.core_type = #tpu.core_type<tc>, window_params = [{transform_indices = @transform_0, window_bounds = array<i64: 2000, 300>}, {pipeline_mode = #tpu.pipeline_mode<synchronous>, transform_indices = @transform_1, window_bounds = array<i64: 384, 300>}, {transform_indices = @transform_2, window_bounds = array<i64: 2000, 384>}]} {
    %get3A = arith.constant 0 : index
    %get3A_0 = arith.constant 0 : index
    %get3A_1 = vector.load %arg1[%get3A, %get3A_0] : memref<2000x300xf32, #tpu.memory_space<vmem>>, vector<2000x300xf32>
    %get3A_2 = arith.constant 0 : index
    %get3A_3 = arith.constant 0 : index
    %get3A_4 = vector.load %arg2[%get3A_2, %get3A_3] : memref<384x300xf32, #tpu.memory_space<vmem>>, vector<384x300xf32>
    %dot_general3A = arith.constant dense<0.000000e+00> : vector<2000x384xf32>
    %dot_general3A_5 = tpu.matmul %get3A_1, %get3A_4, %dot_general3A {dimension_numbers = #tpu.dot_dimension_numbers<[1], [1], [0], [0], [0, 0, 1, 0], [], []>, transpose_lhs_hint = false} : vector<2000x300xf32>, vector<384x300xf32>, vector<2000x384xf32> -> vector<2000x384xf32>
    %swap3A = arith.constant 0 : index
    %swap3A_6 = arith.constant 0 : index
    %swap3A_7 = vector.load %arg3[%swap3A, %swap3A_6] : memref<2000x384xf32, #tpu.memory_space<vmem>>, vector<2000x384xf32>
    tpu.vector_store %arg3[%swap3A, %swap3A_6], %dot_general3A_5 {strides = array<i32>} : memref<2000x384xf32, #tpu.memory_space<vmem>>, vector<2000x384xf32>,
    return
  }
  func.func @transform_0(%arg0: i32) -> (i32, i32) {
    %c0_i32 = arith.constant 0 : i32
    %c0_i32_0 = arith.constant 0 : i32
    return %arg0, %c0_i32 : i32, i32
  }
  func.func @transform_1(%arg0: i32) -> (i32, i32) {
    %c0_i32 = arith.constant 0 : i32
    %c0_i32_0 = arith.constant 0 : i32
    %c0_i32_1 = arith.constant 0 : i32
    return %c0_i32, %c0_i32_0 : i32, i32
  }
  func.func @transform_2(%arg0: i32) -> (i32, i32) {
    %c0_i32 = arith.constant 0 : i32
    %c0_i32_0 = arith.constant 0 : i32
    return %arg0, %c0_i32 : i32, i32
  }
}

</mosaic_0001>

<sc_bundles>
// kernel: kernel.4.cloned.1.call-start
scs
__scs_entry_jumppad:
0x0: {  	(pc) =	sbr.rel $0x88, $3  }
0x1: {  	(tag) =	ssettag $0x0;
	lr =	simm.s32 $0x1  }
0x2: {  	[smem:$0x3F9E] =	sst lr;
	_ =	strace $0xD0000000  }
0x3: {  	_ = 	snop  }
0x4: {  	_ = 	snop  }
0x5: {  	_ = 	snop  }
0x6: {  	_ = 	snop  }
0x7: {  	_ = 	snop  }
__scs_overlays_trampoline_lowered:
0x8: {  	[smem:$0x3FAD] =	sst s0  }
0x9: {  	[smem:$0x3FAE] =	sst s1  }
0xa: {  	[smem:$0x3FAF] =	sst s2  }
0xb: {  	[smem:$0x3FB0] =	sst s3  }
0xc: {  	[smem:$0x3FB1] =	sst s4  }
0xd: {  	[smem:$0x3FB2] =	sst s5  }
0xe: {  	[smem:$0x3FB3] =	sst s6  }
0xf: {  	[smem:$0x3FB4] =	sst s7  }
0x10: {  	[smem:$0x3FB5] =	sst s8  }
0x11: {  	[smem:$0x3FB6] =	sst s9;
	s0 =	simm.s32 @!p0 $0x0  }
0x12: {  	s1 =	sld [smem:$0x3F9C];
	s0 =	simm.s32 @p0 $0x1  }
0x13: {  	[smem:$0x3FB7] =	sst s0;
	s0 =	simm.s32 @!p1 $0x0  }
0x14: {  	s2 =	sld [smem:$0x3F9B];
	s0 =	simm.s32 @p1 $0x1  }
0x15: {  	[smem:$0x3FB8] =	sst s0;
	s0 =	simm.s32 @!p2 $0x0  }
0x16: {  	s3 =	sld [smem:$0x3FDB];
	s0 =	simm.s32 @p2 $0x1  }
0x17: {  	s4 =	simm.s32 $0x1BF5;
	[smem:$0x3FBA] =	sst s0  }
0x18: {  	s0 =	sld [smem:$0x3F9D];
	_ =	swait.ge [sflag:s4], $0x0  }
0x19: {  	s7 =	sld [smem:$0x3F9E]  }
0x1a: {  	s8 =	sadd.s32 $0xFFFFE003, lr  }
0x1b: {  	s9 =	sadd.s32 $0xFFFFFEF7, lr;
	s5 =	simm.s32 $0xFFFFFFFF;
	p2 =	slt.u32 s8, $0xFFFFF086  }
0x1c: {  	p1 =	slt.u32 s9, $0xF7A;
	s5 =	simm.s32 @!p2 $0x0  }
0x1d: {  	s5 =	simm.s32 @p1 $0x1;
	p0 =	seq.s32 s7, s2  }
0x1e: {  	s7 =	smul.u32 @!p0 $0xF7A, s2;
	p2 =	seq.s32 @!p0 s5, $0x0  }
0x1f: {  	s9 =	smul.u32 $0xF7A, s1;
	s8 =	simm.s32 @!p0 $0x1BF5;
	p2 =	por !p2, p0  }
0x20: {  	[sflag:s8] =	ssyncset.s32 @!p0 $0xFFFFF086;
	s6 =	sadd.s32 @!p0 s3, s7;
	s7 =	simm.s32 @!p0 $0x108  }
0x21: {  	s3 =	sadd.s32 s3, s9;
	s6 =	sadd.s32 @!p0 $0x88, s6;
	s7 =	simm.s32 @p2 $0x1082  }
0x22: {  	[simem:s7], [sflag:s8] =	dma.local @!p0 [hbm:s6], $0xF7A  }
0x23: {  	s9 =	sor.u32 $0xD0000000, s2;
	s6 =	simm.s32 $0x108;
	_ =	swait.ge @!p0 [sflag:s8], $0x0  }
0x24: {  	s3 =	sadd.s32 $0x88, s3;
	s6 =	simm.s32 @!p1 $0x1082;
	[sflag:s4] =	ssyncset.s32 $0xFFFFF086  }
0x25: {  	[simem:s6], [sflag:s4] =	dma.local [hbm:s3], $0xF7A  }
0x26: {  	[smem:$0x3F9E] =	sst s1;
	(tag) =	ssettag s2;
	_ =	strace s9  }
0x27: {  	s1 =	sld [smem:$0x3FAE]  }
0x28: {  	s2 =	sld [smem:$0x3FAF]  }
0x29: {  	s4 =	sld [smem:$0x3FB1]  }
0x2a: {  	p0 =	seq.s32 s5, $0x0;
	s5 =	sld [smem:$0x3FB2]  }
0x2b: {  	s6 =	sld [smem:$0x3FB3]  }
0x2c: {  	s7 =	sld [smem:$0x3FB4]  }
0x2d: {  	s3 =	simm.s32 $0x108;
	s8 =	sld [smem:$0x3FB5]  }
0x2e: {  	s3 =	simm.s32 @!p0 $0x1082;
	s9 =	sld [smem:$0x3FB6]  }
0x2f: {  	lr =	sadd.s32 s0, s3;
	s0 =	sld [smem:$0x3FAD]  }
0x30: {  	s3 =	sld [smem:$0x3FB0]  }
0x31: {  	[smem:$0x3FB9] =	sst s10  }
0x32: {  	s10 =	sld [smem:$0x3FB7];
	_ =	sdelay $0x3  }
0x33: {  	p0 =	seq.s32 s10, $0x1;
	s10 =	sld [smem:$0x3FB9];
	_ =	sdelay $0x3  }
0x34: {  	[smem:$0x3FB9] =	sst s10  }
0x35: {  	s10 =	sld [smem:$0x3FB8];
	_ =	sdelay $0x3  }
0x36: {  	p1 =	seq.s32 s10, $0x1;
	s10 =	sld [smem:$0x3FB9];
	_ =	sdelay $0x3  }
0x37: {  	[smem:$0x3FB9] =	sst s10  }
0x38: {  	s10 =	sld [smem:$0x3FBA]  }
0x39: {  	_ = 	snop;
	(pc) =	sbr.ind lr, $3  }
0x3a: {  	_ = 	snop  }
0x3b: {  	_ = 	snop  }
0x3c: {  	p2 =	seq.s32 s10, $0x1;
	s10 =	sld [smem:$0x3FB9]  }
0x3d: {  	_ =	shalt  }
0x3e: {  	_ =	shalt  }
0x3f: {  	_ =	shalt  }
0x40: {  	_ =	shalt  }
0x41: {  	_ =	shalt  }
0x42: {  	_ =	shalt  }
0x43: {  	_ =	shalt  }
0x44: {  	_ =	shalt  }
0x45: {  	_ =	shalt  }
0x46: {  	_ =	shalt  }
0x47: {  	_ =	shalt  }
0x48: {  	_ =	shalt  }
0x49: {  	_ =	shalt  }
0x4a: {  	_ =	shalt  }
0x4b: {  	_ =	shalt  }
0x4c: {  	_ =	shalt  }
0x4d: {  	_ =	shalt  }
0x4e: {  	_ =	shalt  }
0x4f: {  	_ =	shalt  }
0x50: {  	_ =	shalt  }
0x51: {  	_ =	shalt  }
0x52: {  	_ =	shalt  }
0x53: {  	_ =	shalt  }
0x54: {  	_ =	shalt  }
0x55: {  	_ =	shalt  }
0x56: {  	_ =	shalt  }
0x57: {  	_ =	shalt  }
0x58: {  	_ =	shalt  }
0x59: {  	_ =	shalt  }
0x5a: {  	_ =	shalt  }
0x5b: {  	_ =	shalt  }
0x5c: {  	_ =	shalt  }
0x5d: {  	_ =	shalt  }
0x5e: {  	_ =	shalt  }
0x5f: {  	_ =	shalt  }
0x60: {  	_ =	shalt  }
0x61: {  	_ =	shalt  }
0x62: {  	_ =	shalt  }
0x63: {  	_ =	shalt  }
0x64: {  	_ =	shalt  }
0x65: {  	_ =	shalt  }
0x66: {  	_ =	shalt  }
0x67: {  	_ =	shalt  }
0x68: {  	_ =	shalt  }
0x69: {  	_ =	shalt  }
0x6a: {  	_ =	shalt  }
0x6b: {  	_ =	shalt  }
0x6c: {  	_ =	shalt  }
0x6d: {  	_ =	shalt  }
0x6e: {  	_ =	shalt  }
0x6f: {  	_ =	shalt  }
0x70: {  	_ =	shalt  }
0x71: {  	_ =	shalt  }
0x72: {  	_ =	shalt  }
0x73: {  	_ =	shalt  }
0x74: {  	_ =	shalt  }
0x75: {  	_ =	shalt  }
0x76: {  	_ =	shalt  }
0x77: {  	_ =	shalt  }
0x78: {  	_ =	shalt  }
0x79: {  	_ =	shalt  }
0x7a: {  	_ =	shalt  }
0x7b: {  	_ =	shalt  }
0x7c: {  	_ =	shalt  }
0x7d: {  	_ =	shalt  }
0x7e: {  	_ =	shalt  }
0x7f: {  	_ =	shalt  }
0x80: {  	_ =	shalt  }
0x81: {  	_ =	shalt  }
0x82: {  	_ =	shalt  }
0x83: {  	_ =	shalt  }
0x84: {  	_ =	shalt  }
0x85: {  	_ =	shalt  }
0x86: {  	_ =	shalt  }
0x87: {  	_ =	shalt  }
.Lfunc_end0:
.L_simem_size_0:
called_computation.1_lowered:
.L_overlay_start_0:
0x88: {  	s2 =	sld [smem:$0x3FD9]  }
0x89: {  	s3 =	sld [smem:$0x3FFE];
	_ =	sdelay $0x1  }
0x8a: {  	s1 =	srdreg.scid  }
0x8b: {  	s0 =	sand.u32 $0x1, s1  }
0x8c: {  	s16 =	sshll.u32 s0, $0xA;
	s2 =	sadd.s32 s3, s2  }
0x8d: {  	s2 =	sadd.s32 s2, s16  }
0x8e: {  	[smem:$0x3FC5] =	sst s2  }
0x8f: {  	_ = 	snop  }
0x90: {  	(tm) =	ssettm $0x1  }
0x91: {  	s17 =	sld [smem:$0x3FFB];
	_ =	sdelay $0x3  }
0x92: {  	_ =	strace s17  }
0x93: {  	s2 =	sld [smem:$0x3FFC];
	_ =	sdelay $0x3  }
0x94: {  	_ =	strace s2  }
0x95: {  	s2 =	sld [smem:$0x3FFD];
	_ =	sdelay $0x3  }
0x96: {  	_ =	strace s2  }
0x97: {  	_ =	strace $0x8FFFFFFF  }
0x98: {  	s18 =	sld [smem:$0x3FDB];
	_ =	sdelay $0x1  }
0x99: {  	s19 =	simm.s32 $_scs_section_size  }
0x9a: {  	s4 =	simm.s32 $_size__tile_overlayer_lowered;
	s5 =	simm.s32 $_tile_overlayer_lowered  }
0x9b: {  	s22 =	simm.s32 $0x1BFF;
	s21 =	sshll.u32 s5, $0x1;
	s2 =	sadd.s32 s19, s18  }
0x9c: {  	s6 =	simm.s32 $0x0;
	s20 =	sshll.u32 s4, $0x1;
	s4 =	sadd.s32 s21, s2  }
0x9d: {  	[timem:s6], [sflag:s22] =	dma.local [hbm:s4], s20  }
0x9e: {  	_ =	swait.ge [sflag:s22], s20  }
0x9f: {  	s3 =	ssub.s32 $0x0, s20;
	[sflag:s22] =	ssyncset.done $0x0  }
0xa0: {  	[sflag:s22] =	ssyncadd.s32 s3;
	_ =	sdelay $0x1  }
0xa1: {  	s23 =	simm.s32 $0x1B8B  }
0xa2: {  	_ =	swait.ge [sflag:s23], $0x1  }
0xa3: {  	[sflag:s23] =	ssyncset.done $0x0  }
0xa4: {  	s25 =	simm.s32 $0x1B8E;
	s24 =	sld [smem:$0x3FFE];
	[sflag:s23] =	ssyncadd.s32 $0xFFFFFFFF  }
0xa5: {  	s26 =	simm.s32 $execute0_lowered;
	[smem:$0x3FD2] =	sst s25  }
0xa6: {  	s4 =	sshll.u32 s26, $0x1;
	_ =	strace $0x80000046;
	[dreg:$0x1] =	wrdreg $0xFFFFFFFF  }
0xa7: {  	s28 =	simm.s32 $_size_execute0_lowered;
	s2 =	sadd.s32 s2, s4;
	[dreg:$0x0] =	wrdreg $0x0  }
0xa8: {  	s4 =	sshll.u32 s28, $0x1;
	[dreg:$0x2] =	wrdreg s2  }
0xa9: {  	[dreg:$0x3] =	wrdreg s4  }
0xaa: {  	[dreg:$0x4] =	wrdreg $0xC0  }
0xab: {  	_ =	task [dreg:s6], $0x5FFFF  }
0xac: {  	[dreg:$0x1] =	wrdreg $0xFFFFFFFF  }
0xad: {  	[dreg:$0x0] =	wrdreg $0x60  }
0xae: {  	[dreg:$0x2] =	wrdreg s24  }
0xaf: {  	[dreg:$0x3] =	wrdreg $0x9  }
0xb0: {  	_ =	task.clear_ibuf [dreg:s6], $0x4FFFF;
	_ =	strace $0x90000046  }
0xb1: {  	s29 =	simm.s32 $0x9;
	_ =	strace $0x80000048  }
0xb2: {  	_ =	swait.ge [sflag:s29], $0x1  }
0xb3: {  	[sflag:s29] =	ssyncadd.s32 $0xFFFFFFFF  }
0xb4: {  	_ =	strace $0x90000048  }
0xb5: {  	_ =	sfence  }
0xb6: {  	s30 =	sld [smem:$0x0];
	_ =	sdelay $0x2  }
0xb7: {  	s31 =	sshll.u32 s1, $0xD;
	s1 =	sshrl.u32 s1, $0x2  }
0xb8: {  	s3 =	sand.u32 $0x4000, s31;
	s1 =	sadd.s32 s1, s30  }
0xb9: {  	s0 =	sor.u32 s3, s0;
	s1 =	sshll.u32 s1, $0x11  }
0xba: {  	s0 =	sor.u32 s1, s0  }
0xbb: {  	s0 =	sadd.s32 $0x8F2B, s0  }
0xbc: {  	[sflag:s0] =	ssyncadd.remote.s32 $0x1  }
0xbd: {  	_ =	sfence.sel $0xFFFF  }
0xbe: {  	[dreg:$0x0] =	wrdreg $0xFFFFFFFF;
	(pc) =	sbr.abs _section_cstart, $3  }
0xbf: {  	[dreg:$0x1] =	wrdreg $0xFFFFFFFF  }
0xc0: {  	_ =	task.clear_ibuf [dreg:s6], $0x2FFFF;
	_ =	strace $0x9FFFFFFF  }
0xc1: {  	(tm) =	ssettm $0x7FFFFFFF  }
tec
execute0_lowered:
.L_overlay_start_1:
0x0: {  	(tag) =	ssettag $0x1  }
0x1: {  	s0 =	srdreg.scid  }
0x2: {  	s2 =	stileid.u32;
	s4 =	rddreg [dreg:$0x0]  }
0x3: {  	s9 =	simm.s32 $0x3;
	s10 =	simm.s32 $0x6400;
	s18 =	simm.s32 $0x12400  }
0x4: {  	s11 =	simm.s32 $0x18C00;
	s12 =	simm.s32 $0x19000;
	s13 =	simm.s32 $0x19800  }
0x5: {  	s14 =	simm.s32 $0x19C00;
	s15 =	simm.s32 $0x1A400;
	s16 =	simm.s32 $0x1A800  }
0x6: {  	s17 =	simm.s32 $0x1B000;
	s19 =	simm.s32 $0x1B400;
	s20 =	simm.s32 $0x1BC00  }
0x7: {  	s21 =	simm.s32 $0x1C000;
	s22 =	simm.s32 $0x1C800;
	s23 =	simm.s32 $0x1CC00  }
0x8: {  	s24 =	simm.s32 $0x1D400;
	s25 =	simm.s32 $0x1D800;
	s26 =	simm.s32 $0x1E000  }
0x9: {  	s28 =	simm.s32 $0x1;
	s29 =	simm.s32 $0x2;
	s30 =	simm.s32 $0x0  }
0xa: {  	s0 =	sand.u32 $0x1, s0;
	s1 =	sshll.u32 s2, $0x1;
	s3 =	smul.u32 $0xC800, s2  }
0xb: {  	s2 =	simm.s32 $0x0;
	s8 =	sadd.s32 $0x4AD800, s4;
	s1 =	sor.u32 s0, s1  }
0xc: {  	s5 =	smul.u32 $0x6400, s0;
	[smem:$0x7FF] =	sst s2;
	s0 =	ssub.s32 $0x2, s0  }
0xd: {  	s1 =	smul.u32 $0x6400, s1;
	_ =	strace $0x80000047;
	s7 =	sshrl.u32 s0, $0x1  }
0xe: {  	s5 =	sadd.s32 s5, s3;
	s3 =	sadd.s32 $0x19A00, s4;
	s0 =	ssub.s32 s0, s7  }
0xf: {  	s1 =	sshrl.u32 s1, $0x3;
	s6 =	sor.u32 $0x80, s5;
	s5 =	sshrl.u32 s5, $0x3  }
.Ltmp0:
0x10: {  	s0 =	smax.u32 s0, $0x1;
	s1 =	sadd.s32 s1, s4;
	(pc) =	sbr.rel .LBB2_1-.Ltmp0, $4  }
0x11: {  	s6 =	sshrl.u32 s6, $0x3;
	s31 =	smul.u32 $0x180, s5;
	s5 =	sadd.s32 $0x19B00, s4  }
0x12: {  	v2 =	vlaneseq.u32;
	[dreg:$0x3] =	wrdreg s0;
	s6 =	smul.u32 $0x180, s6;
	s1 =	sadd.s32 $0xA00, s1  }
0x13: {  	vm0 =	vmmov $0xffff;
	vm1 =	vmmov $0xff;
	v1 =	vshrl.u32 v2, $0x3;
	s0 =	simm.s32 $0x17800;
	s4 =	simm.s32 $0x18000;
	[dreg:$0x2] =	wrdreg s1  }
0x14: {  	v0 =	vand.u32 $0x7, v2;
	v2 =	vor.u32 $0x8, v2;
	v1 =	vmul.u32 $0x8, v1;
	s7 =	sadd.s32 s6, s8;
	s8 =	sadd.s32 s31, s8;
	s6 =	simm.s32 $0x18400  }
.LBB2_5:
0x15: {  	s30 =	rddreg [dreg:$0x4]  }
0x16: {  	s1 =	rddreg [dreg:$0x3];
	s30 =	sadd.s32 $0x1, s30  }
0x17: {  	p0 =	sne.s32 s30, s1  }
.Ltmp1:
0x18: {  	_ = 	snop;
	(pc) =	sbr.rel @!p0 .LBB2_6-.Ltmp1, $1  }
0x19: {  	_ =	sdelay $0x3  }
.LBB2_1:
0x1a: {  	[dreg:$0x4] =	wrdreg s30  }
0x1b: {  	s1 =	rddreg [dreg:$0x2]  }
0x1c: {  	[tilespmem:s2], [sflag:$0x3] =	stream.linear.gather [hbm4b:s1+s2], $0x6400, $0x38;
	[tilespmem:$0x1E400] =	vst v63  }
0x1d: {  	_ =	swait.ge [sflag:s9], $0x6400  }
0x1e: {  	[sflag:s9] =	ssyncset.done $0x0  }
0x1f: {  	[sflag:s9] =	ssyncadd.s32 $0xFFFF9C00  }
0x20: {  	v3 =	vld [tilespmem:$0x0];
	_ =	sdelay $0x4  }
0x21: {  	v4 =	vshrl.u32 v3, $0x3  }
0x22: {  	v4 =	vmul.u32 $0x18, v4  }
0x23: {  	v3 =	vand.u32 $0x7, v3  }
0x24: {  	v3 =	vor.u32 v3, v4  }
0x25: {  	v4 =	vperm.xlane v3, v0;
	_ =	sdelay $0x1  }
0x26: {  	v4 =	vadd.s32 v1, v4;
	_ =	sdelay $0x1  }
0x27: {  	v3 =	vperm.xlane v3, v2;
	_ =	sdelay $0x1  }
0x28: {  	v3 =	vadd.s32 v1, v3  }
0x29: {  	[tilespmem:s10], [sflag:$0x1] =	stream.indirect_vreg.gather [hbm4b:s3+s2], $0x80, v4, vm0, $0xb8;
	[tilespmem:$0x1E400] =	vst v63  }
0x2a: {  	s1 =	simm.s32 $0x6C00  }
0x2b: {  	[tilespmem:s1], [sflag:$0x1] =	stream.indirect_vreg.gather [hbm4b:s5+s2], $0x80, v4, vm1, $0xb8;
	[tilespmem:$0x1E400] =	vst v63  }
0x2c: {  	s1 =	simm.s32 $0x7000  }
0x2d: {  	[tilespmem:s1], [sflag:$0x1] =	stream.indirect_vreg.gather [hbm4b:s3+s2], $0x80, v3, vm0, $0xb8;
	[tilespmem:$0x1E400] =	vst v63  }
0x2e: {  	s1 =	simm.s32 $0x7800  }
0x2f: {  	[tilespmem:s1], [sflag:$0x1] =	stream.indirect_vreg.gather [hbm4b:s5+s2], $0x80, v3, vm1, $0xb8;
	[tilespmem:$0x1E400] =	vst v63  }
0x30: {  	v3 =	vld [tilespmem:$0x10];
	_ =	sdelay $0x4  }
0x31: {  	v57 =	vshrl.u32 v3, $0x3  }
0x32: {  	v4 =	vmul.u32 $0x18, v57  }
0x33: {  	v3 =	vand.u32 $0x7, v3  }
0x34: {  	v3 =	vor.u32 v3, v4  }
0x35: {  	v4 =	vperm.xlane v3, v0;
	_ =	sdelay $0x1  }
0x36: {  	v4 =	vadd.s32 v1, v4;
	_ =	sdelay $0x1  }
0x37: {  	v3 =	vperm.xlane v3, v2;
	_ =	sdelay $0x1  }
0x38: {  	s1 =	simm.s32 $0x7C00;
	v3 =	vadd.s32 v1, v3  }
0x39: {  	[tilespmem:s1], [sflag:$0x1] =	stream.indirect_vreg.gather [hbm4b:s3+s2], $0x80, v4, vm0, $0xb8;
	[tilespmem:$0x1E400] =	vst v63  }
0x3a: {  	s1 =	simm.s32 $0x8400  }
0x3b: {  	[tilespmem:s1], [sflag:$0x1] =	stream.indirect_vreg.gather [hbm4b:s5+s2], $0x80, v4, vm1, $0xb8;
	[tilespmem:$0x1E400] =	vst v63  }
0x3c: {  	s1 =	simm.s32 $0x8800  }
0x3d: {  	[tilespmem:s1], [sflag:$0x1] =	stream.indirect_vreg.gather [hbm4b:s3+s2], $0x80, v3, vm0, $0xb8;
	[tilespmem:$0x1E400] =	vst v63  }
0x3e: {  	s1 =	simm.s32 $0x9000  }
0x3f: {  	[tilespmem:s1], [sflag:$0x1] =	stream.indirect_vreg.gather [hbm4b:s5+s2], $0x80, v3, vm1, $0xb8;
	[tilespmem:$0x1E400] =	vst v63  }
0x40: {  	v3 =	vld [tilespmem:$0x20];
	_ =	sdelay $0x4  }
0x41: {  	v58 =	vshrl.u32 v3, $0x3  }
0x42: {  	v4 =	vmul.u32 $0x18, v58  }
0x43: {  	v3 =	vand.u32 $0x7, v3  }
0x44: {  	v3 =	vor.u32 v3, v4  }
0x45: {  	v4 =	vperm.xlane v3, v0;
	_ =	sdelay $0x1  }
0x46: {  	v4 =	vadd.s32 v1, v4;
	_ =	sdelay $0x1  }
0x47: {  	v3 =	vperm.xlane v3, v2;
	_ =	sdelay $0x1  }
0x48: {  	s1 =	simm.s32 $0x9400;
	v3 =	vadd.s32 v1, v3  }
0x49: {  	[tilespmem:s1], [sflag:$0x1] =	stream.indirect_vreg.gather [hbm4b:s3+s2], $0x80, v4, vm0, $0xb8;
	[tilespmem:$0x1E400] =	vst v63  }
0x4a: {  	s1 =	simm.s32 $0x9C00  }
0x4b: {  	[tilespmem:s1], [sflag:$0x1] =	stream.indirect_vreg.gather [hbm4b:s5+s2], $0x80, v4, vm1, $0xb8;
	[tilespmem:$0x1E400] =	vst v63  }
0x4c: {  	s1 =	simm.s32 $0xA000  }
0x4d: {  	[tilespmem:s1], [sflag:$0x1] =	stream.indirect_vreg.gather [hbm4b:s3+s2], $0x80, v3, vm0, $0xb8;
	[tilespmem:$0x1E400] =	vst v63  }
0x4e: {  	s1 =	simm.s32 $0xA800  }
0x4f: {  	[tilespmem:s1], [sflag:$0x1] =	stream.indirect_vreg.gather [hbm4b:s5+s2], $0x80, v3, vm1, $0xb8;
	[tilespmem:$0x1E400] =	vst v63  }
0x50: {  	v3 =	vld [tilespmem:$0x30];
	_ =	sdelay $0x4  }
0x51: {  	v59 =	vshrl.u32 v3, $0x3  }
0x52: {  	v4 =	vmul.u32 $0x18, v59  }
0x53: {  	v3 =	vand.u32 $0x7, v3  }
0x54: {  	v3 =	vor.u32 v3, v4  }
0x55: {  	v4 =	vperm.xlane v3, v0;
	_ =	sdelay $0x1  }
0x56: {  	v4 =	vadd.s32 v1, v4;
	_ =	sdelay $0x1  }
0x57: {  	v3 =	vperm.xlane v3, v2;
	_ =	sdelay $0x1  }
0x58: {  	s1 =	simm.s32 $0xAC00;
	v3 =	vadd.s32 v1, v3  }
0x59: {  	[tilespmem:s1], [sflag:$0x1] =	stream.indirect_vreg.gather [hbm4b:s3+s2], $0x80, v4, vm0, $0xb8;
	[tilespmem:$0x1E400] =	vst v63  }
0x5a: {  	s1 =	simm.s32 $0xB400  }
0x5b: {  	[tilespmem:s1], [sflag:$0x1] =	stream.indirect_vreg.gather [hbm4b:s5+s2], $0x80, v4, vm1, $0xb8;
	[tilespmem:$0x1E400] =	vst v63  }
0x5c: {  	s1 =	simm.s32 $0xB800  }
0x5d: {  	[tilespmem:s1], [sflag:$0x1] =	stream.indirect_vreg.gather [hbm4b:s3+s2], $0x80, v3, vm0, $0xb8;
	[tilespmem:$0x1E400] =	vst v63  }
0x5e: {  	s1 =	simm.s32 $0xC000  }
0x5f: {  	[tilespmem:s1], [sflag:$0x1] =	stream.indirect_vreg.gather [hbm4b:s5+s2], $0x80, v3, vm1, $0xb8;
	[tilespmem:$0x1E400] =	vst v63  }
0x60: {  	v3 =	vld [tilespmem:$0x40];
	_ =	sdelay $0x4  }
0x61: {  	v60 =	vshrl.u32 v3, $0x3  }
0x62: {  	v4 =	vmul.u32 $0x18, v60  }
0x63: {  	v3 =	vand.u32 $0x7, v3  }
0x64: {  	v3 =	vor.u32 v3, v4  }
0x65: {  	v4 =	vperm.xlane v3, v0;
	_ =	sdelay $0x1  }
0x66: {  	v4 =	vadd.s32 v1, v4;
	_ =	sdelay $0x1  }
0x67: {  	v3 =	vperm.xlane v3, v2;
	_ =	sdelay $0x1  }
0x68: {  	s1 =	simm.s32 $0xC400;
	v3 =	vadd.s32 v1, v3  }
0x69: {  	[tilespmem:s1], [sflag:$0x1] =	stream.indirect_vreg.gather [hbm4b:s3+s2], $0x80, v4, vm0, $0xb8;
	[tilespmem:$0x1E400] =	vst v63  }
0x6a: {  	s1 =	simm.s32 $0xCC00  }
0x6b: {  	[tilespmem:s1], [sflag:$0x1] =	stream.indirect_vreg.gather [hbm4b:s5+s2], $0x80, v4, vm1, $0xb8;
	[tilespmem:$0x1E400] =	vst v63  }
0x6c: {  	s1 =	simm.s32 $0xD000  }
0x6d: {  	[tilespmem:s1], [sflag:$0x1] =	stream.indirect_vreg.gather [hbm4b:s3+s2], $0x80, v3, vm0, $0xb8;
	[tilespmem:$0x1E400] =	vst v63  }
0x6e: {  	s1 =	simm.s32 $0xD800  }
0x6f: {  	[tilespmem:s1], [sflag:$0x1] =	stream.indirect_vreg.gather [hbm4b:s5+s2], $0x80, v3, vm1, $0xb8;
	[tilespmem:$0x1E400] =	vst v63  }
0x70: {  	v3 =	vld [tilespmem:$0x50];
	_ =	sdelay $0x4  }
0x71: {  	v61 =	vshrl.u32 v3, $0x3  }
0x72: {  	v4 =	vmul.u32 $0x18, v61  }
0x73: {  	v3 =	vand.u32 $0x7, v3  }
0x74: {  	v3 =	vor.u32 v3, v4  }
0x75: {  	v4 =	vperm.xlane v3, v0;
	_ =	sdelay $0x1  }
0x76: {  	v4 =	vadd.s32 v1, v4;
	_ =	sdelay $0x1  }
0x77: {  	v3 =	vperm.xlane v3, v2;
	_ =	sdelay $0x1  }
0x78: {  	s1 =	simm.s32 $0xDC00;
	v3 =	vadd.s32 v1, v3  }
0x79: {  	[tilespmem:s1], [sflag:$0x1] =	stream.indirect_vreg.gather [hbm4b:s3+s2], $0x80, v4, vm0, $0xb8;
	[tilespmem:$0x1E400] =	vst v63  }
0x7a: {  	s1 =	simm.s32 $0xE400  }
0x7b: {  	[tilespmem:s1], [sflag:$0x1] =	stream.indirect_vreg.gather [hbm4b:s5+s2], $0x80, v4, vm1, $0xb8;
	[tilespmem:$0x1E400] =	vst v63  }
0x7c: {  	s1 =	simm.s32 $0xE800  }
0x7d: {  	[tilespmem:s1], [sflag:$0x1] =	stream.indirect_vreg.gather [hbm4b:s3+s2], $0x80, v3, vm0, $0xb8;
	[tilespmem:$0x1E400] =	vst v63  }
0x7e: {  	s1 =	simm.s32 $0xF000  }
0x7f: {  	[tilespmem:s1], [sflag:$0x1] =	stream.indirect_vreg.gather [hbm4b:s5+s2], $0x80, v3, vm1, $0xb8;
	[tilespmem:$0x1E400] =	vst v63  }
0x80: {  	v3 =	vld [tilespmem:$0x60];
	_ =	sdelay $0x4  }
0x81: {  	v62 =	vshrl.u32 v3, $0x3  }
0x82: {  	v4 =	vmul.u32 $0x18, v62  }
0x83: {  	v3 =	vand.u32 $0x7, v3  }
0x84: {  	v3 =	vor.u32 v3, v4  }
0x85: {  	v4 =	vperm.xlane v3, v0;
	_ =	sdelay $0x1  }
0x86: {  	v4 =	vadd.s32 v1, v4;
	_ =	sdelay $0x1  }
0x87: {  	v3 =	vperm.xlane v3, v2;
	_ =	sdelay $0x1  }
0x88: {  	s1 =	simm.s32 $0xF400;
	v3 =	vadd.s32 v1, v3  }
0x89: {  	[tilespmem:s1], [sflag:$0x1] =	stream.indirect_vreg.gather [hbm4b:s3+s2], $0x80, v4, vm0, $0xb8;
	[tilespmem:$0x1E400] =	vst v63  }
0x8a: {  	s1 =	simm.s32 $0xFC00  }
0x8b: {  	[tilespmem:s1], [sflag:$0x1] =	stream.indirect_vreg.gather [hbm4b:s5+s2], $0x80, v4, vm1, $0xb8;
	[tilespmem:$0x1E400] =	vst v63  }
0x8c: {  	s1 =	simm.s32 $0x10000  }
0x8d: {  	[tilespmem:s1], [sflag:$0x1] =	stream.indirect_vreg.gather [hbm4b:s3+s2], $0x80, v3, vm0, $0xb8;
	[tilespmem:$0x1E400] =	vst v63  }
0x8e: {  	s1 =	simm.s32 $0x10800  }
0x8f: {  	[tilespmem:s1], [sflag:$0x1] =	stream.indirect_vreg.gather [hbm4b:s5+s2], $0x80, v3, vm1, $0xb8;
	[tilespmem:$0x1E400] =	vst v63  }
0x90: {  	v3 =	vld [tilespmem:$0x70];
	_ =	sdelay $0x4  }
0x91: {  	v63 =	vshrl.u32 v3, $0x3  }
0x92: {  	v4 =	vmul.u32 $0x18, v63  }
0x93: {  	v3 =	vand.u32 $0x7, v3  }
0x94: {  	v3 =	vor.u32 v3, v4  }
0x95: {  	v4 =	vperm.xlane v3, v0;
	_ =	sdelay $0x1  }
0x96: {  	v4 =	vadd.s32 v1, v4;
	_ =	sdelay $0x2  }
0x97: {  	v3 =	vperm.xlane v3, v2  }
0x98: {  	s1 =	simm.s32 $0x10C00  }
0x99: {  	v3 =	vadd.s32 v1, v3;
	[tilespmem:s1], [sflag:$0x1] =	stream.indirect_vreg.gather [hbm4b:s3+s2], $0x80, v4, vm0, $0xb8;
	[tilespmem:$0x1E400] =	vst v63  }
0x9a: {  	s1 =	simm.s32 $0x11400  }
0x9b: {  	[tilespmem:s1], [sflag:$0x1] =	stream.indirect_vreg.gather [hbm4b:s5+s2], $0x80, v4, vm1, $0xb8;
	[tilespmem:$0x1E400] =	vst v63  }
.Ltmp2:
0x9c: {  	_ = 	snop;
	(pc) =	sbr.rel .LBB2_2-.Ltmp2, $4  }
0x9d: {  	s1 =	simm.s32 $0x11800  }
0x9e: {  	[tilespmem:s1], [sflag:$0x1] =	stream.indirect_vreg.gather [hbm4b:s3+s2], $0x80, v3, vm0, $0xb8;
	[tilespmem:$0x1E400] =	vst v63  }
0x9f: {  	s30 =	simm.s32 $0xC0;
	s31 =	simm.s32 $0x0;
	s1 =	simm.s32 $0x12000  }
0xa0: {  	[tilespmem:s1], [sflag:$0x1] =	stream.indirect_vreg.gather [hbm4b:s5+s2], $0x80, v3, vm1, $0xb8;
	[tilespmem:$0x1E400] =	vst v63  }
.LBB2_4:
0xa1: {  	_ =	swait.ge [sflag:s29], $0xC000;
	s1 =	sadd.s32 s31, s7;
	s31 =	sadd.s32 $0x3000, s31  }
0xa2: {  	[sflag:s29] =	ssyncset.done $0x0;
	p0 =	sne.s32 s31, $0x12C000  }
.Ltmp3:
0xa3: {  	[sflag:s29] =	ssyncadd.s32 $0xFFFF4000;
	(pc) =	sbr.rel @!p0 .LBB2_5-.Ltmp3, $4  }
0xa4: {  	[hbm4b:s1+s2] =	stream.linear.scatter [tilespmem:s18], [sflag:$0x3], $0xC000, $0x38;
	[tilespmem:$0x1E400] =	vst v63  }
0xa5: {  	_ =	swait.ge [sflag:s9], $0xC000  }
0xa6: {  	[sflag:s9] =	ssyncset.done $0x0  }
0xa7: {  	s30 =	sadd.s32 $0x100, s30;
	[sflag:s9] =	ssyncadd.s32 $0xFFFF4000  }
.LBB2_2:
0xa8: {  	v3 =	vld [tilespmem:s30+$0xFFFFFFC0];
	_ =	sdelay $0x4  }
0xa9: {  	v4 =	vshrl.u32 v3, $0x3  }
0xaa: {  	v4 =	vmul.u32 $0x18, v4  }
0xab: {  	v3 =	vand.u32 $0x7, v3  }
0xac: {  	v3 =	vor.u32 v3, v4  }
0xad: {  	v4 =	vperm.xlane v3, v0;
	_ =	sdelay $0x1  }
0xae: {  	v4 =	vadd.s32 v1, v4;
	_ =	sdelay $0x1  }
0xaf: {  	v3 =	vperm.xlane v3, v2;
	_ =	sdelay $0x1  }
0xb0: {  	v3 =	vadd.s32 v1, v3  }
0xb1: {  	[tilespmem:s18], [sflag:$0x2] =	stream.indirect_vreg.gather [hbm4b:s3+s2], $0x80, v4, vm0, $0xb8;
	[tilespmem:$0x1E400] =	vst v63  }
0xb2: {  	s1 =	simm.s32 $0x12C00  }
0xb3: {  	[tilespmem:s1], [sflag:$0x2] =	stream.indirect_vreg.gather [hbm4b:s5+s2], $0x80, v4, vm1, $0xb8;
	[tilespmem:$0x1E400] =	vst v63  }
0xb4: {  	s1 =	simm.s32 $0x13000  }
0xb5: {  	[tilespmem:s1], [sflag:$0x2] =	stream.indirect_vreg.gather [hbm4b:s3+s2], $0x80, v3, vm0, $0xb8;
	[tilespmem:$0x1E400] =	vst v63  }
0xb6: {  	s1 =	simm.s32 $0x13800  }
0xb7: {  	[tilespmem:s1], [sflag:$0x2] =	stream.indirect_vreg.gather [hbm4b:s5+s2], $0x80, v3, vm1, $0xb8;
	[tilespmem:$0x1E400] =	vst v63  }
0xb8: {  	v3 =	vld [tilespmem:s30+$0xFFFFFFD0];
	_ =	sdelay $0x4  }
0xb9: {  	v57 =	vshrl.u32 v3, $0x3  }
0xba: {  	v4 =	vmul.u32 $0x18, v57  }
0xbb: {  	v3 =	vand.u32 $0x7, v3  }
0xbc: {  	v3 =	vor.u32 v3, v4  }
0xbd: {  	v4 =	vperm.xlane v3, v0;
	_ =	sdelay $0x1  }
0xbe: {  	v4 =	vadd.s32 v1, v4;
	_ =	sdelay $0x1  }
0xbf: {  	v3 =	vperm.xlane v3, v2;
	_ =	sdelay $0x1  }
0xc0: {  	s1 =	simm.s32 $0x13C00;
	v3 =	vadd.s32 v1, v3  }
0xc1: {  	[tilespmem:s1], [sflag:$0x2] =	stream.indirect_vreg.gather [hbm4b:s3+s2], $0x80, v4, vm0, $0xb8;
	[tilespmem:$0x1E400] =	vst v63  }
0xc2: {  	s1 =	simm.s32 $0x14400  }
0xc3: {  	[tilespmem:s1], [sflag:$0x2] =	stream.indirect_vreg.gather [hbm4b:s5+s2], $0x80, v4, vm1, $0xb8;
	[tilespmem:$0x1E400] =	vst v63  }
0xc4: {  	s1 =	simm.s32 $0x14800  }
0xc5: {  	[tilespmem:s1], [sflag:$0x2] =	stream.indirect_vreg.gather [hbm4b:s3+s2], $0x80, v3, vm0, $0xb8;
	[tilespmem:$0x1E400] =	vst v63  }
0xc6: {  	s1 =	simm.s32 $0x15000  }
0xc7: {  	[tilespmem:s1], [sflag:$0x2] =	stream.indirect_vreg.gather [hbm4b:s5+s2], $0x80, v3, vm1, $0xb8;
	[tilespmem:$0x1E400] =	vst v63  }
0xc8: {  	v3 =	vld [tilespmem:s30+$0xFFFFFFE0];
	_ =	sdelay $0x4  }
0xc9: {  	v58 =	vshrl.u32 v3, $0x3  }
0xca: {  	v4 =	vmul.u32 $0x18, v58  }
0xcb: {  	v3 =	vand.u32 $0x7, v3  }
0xcc: {  	v3 =	vor.u32 v3, v4  }
0xcd: {  	v4 =	vperm.xlane v3, v0;
	_ =	sdelay $0x1  }
0xce: {  	v4 =	vadd.s32 v1, v4;
	_ =	sdelay $0x1  }
0xcf: {  	v3 =	vperm.xlane v3, v2;
	_ =	sdelay $0x1  }
0xd0: {  	s1 =	simm.s32 $0x15400;
	v3 =	vadd.s32 v1, v3  }
0xd1: {  	[tilespmem:s1], [sflag:$0x2] =	stream.indirect_vreg.gather [hbm4b:s3+s2], $0x80, v4, vm0, $0xb8;
	[tilespmem:$0x1E400] =	vst v63  }
0xd2: {  	s1 =	simm.s32 $0x15C00  }
0xd3: {  	[tilespmem:s1], [sflag:$0x2] =	stream.indirect_vreg.gather [hbm4b:s5+s2], $0x80, v4, vm1, $0xb8;
	[tilespmem:$0x1E400] =	vst v63  }
0xd4: {  	s1 =	simm.s32 $0x16000  }
0xd5: {  	[tilespmem:s1], [sflag:$0x2] =	stream.indirect_vreg.gather [hbm4b:s3+s2], $0x80, v3, vm0, $0xb8;
	[tilespmem:$0x1E400] =	vst v63  }
0xd6: {  	s1 =	simm.s32 $0x16800  }
0xd7: {  	[tilespmem:s1], [sflag:$0x2] =	stream.indirect_vreg.gather [hbm4b:s5+s2], $0x80, v3, vm1, $0xb8;
	[tilespmem:$0x1E400] =	vst v63  }
0xd8: {  	v3 =	vld [tilespmem:s30+$0xFFFFFFF0];
	_ =	sdelay $0x4  }
0xd9: {  	v59 =	vshrl.u32 v3, $0x3  }
0xda: {  	v4 =	vmul.u32 $0x18, v59  }
0xdb: {  	v3 =	vand.u32 $0x7, v3  }
0xdc: {  	v3 =	vor.u32 v3, v4  }
0xdd: {  	v4 =	vperm.xlane v3, v0;
	_ =	sdelay $0x1  }
0xde: {  	v4 =	vadd.s32 v1, v4;
	_ =	sdelay $0x1  }
0xdf: {  	v3 =	vperm.xlane v3, v2;
	_ =	sdelay $0x1  }
0xe0: {  	s1 =	simm.s32 $0x16C00;
	v3 =	vadd.s32 v1, v3  }
0xe1: {  	[tilespmem:s1], [sflag:$0x2] =	stream.indirect_vreg.gather [hbm4b:s3+s2], $0x80, v4, vm0, $0xb8;
	[tilespmem:$0x1E400] =	vst v63  }
0xe2: {  	s1 =	simm.s32 $0x17400  }
0xe3: {  	[tilespmem:s1], [sflag:$0x2] =	stream.indirect_vreg.gather [hbm4b:s5+s2], $0x80, v4, vm1, $0xb8;
	[tilespmem:$0x1E400] =	vst v63  }
0xe4: {  	_ = 	snop  }
0xe5: {  	[tilespmem:s0], [sflag:$0x2] =	stream.indirect_vreg.gather [hbm4b:s3+s2], $0x80, v3, vm0, $0xb8;
	[tilespmem:$0x1E400] =	vst v63  }
0xe6: {  	_ = 	snop  }
0xe7: {  	[tilespmem:s4], [sflag:$0x2] =	stream.indirect_vreg.gather [hbm4b:s5+s2], $0x80, v3, vm1, $0xb8;
	[tilespmem:$0x1E400] =	vst v63  }
0xe8: {  	v3 =	vld [tilespmem:s30+$0x0];
	_ =	sdelay $0x4  }
0xe9: {  	v60 =	vshrl.u32 v3, $0x3  }
0xea: {  	v4 =	vmul.u32 $0x18, v60  }
0xeb: {  	v3 =	vand.u32 $0x7, v3  }
0xec: {  	v3 =	vor.u32 v3, v4  }
0xed: {  	v4 =	vperm.xlane v3, v0;
	_ =	sdelay $0x1  }
0xee: {  	v4 =	vadd.s32 v1, v4;
	_ =	sdelay $0x1  }
0xef: {  	v3 =	vperm.xlane v3, v2;
	_ =	sdelay $0x1  }
0xf0: {  	v3 =	vadd.s32 v1, v3  }
0xf1: {  	[tilespmem:s6], [sflag:$0x2] =	stream.indirect_vreg.gather [hbm4b:s3+s2], $0x80, v4, vm0, $0xb8;
	[tilespmem:$0x1E400] =	vst v63  }
0xf2: {  	_ = 	snop  }
0xf3: {  	[tilespmem:s11], [sflag:$0x2] =	stream.indirect_vreg.gather [hbm4b:s5+s2], $0x80, v4, vm1, $0xb8;
	[tilespmem:$0x1E400] =	vst v63  }
0xf4: {  	_ = 	snop  }
0xf5: {  	[tilespmem:s12], [sflag:$0x2] =	stream.indirect_vreg.gather [hbm4b:s3+s2], $0x80, v3, vm0, $0xb8;
	[tilespmem:$0x1E400] =	vst v63  }
0xf6: {  	_ = 	snop  }
0xf7: {  	[tilespmem:s13], [sflag:$0x2] =	stream.indirect_vreg.gather [hbm4b:s5+s2], $0x80, v3, vm1, $0xb8;
	[tilespmem:$0x1E400] =	vst v63  }
0xf8: {  	v3 =	vld [tilespmem:s30+$0x10];
	_ =	sdelay $0x4  }
0xf9: {  	v61 =	vshrl.u32 v3, $0x3  }
0xfa: {  	v4 =	vmul.u32 $0x18, v61  }
0xfb: {  	v3 =	vand.u32 $0x7, v3  }
0xfc: {  	v3 =	vor.u32 v3, v4  }
0xfd: {  	v4 =	vperm.xlane v3, v0;
	_ =	sdelay $0x1  }
0xfe: {  	v4 =	vadd.s32 v1, v4;
	_ =	sdelay $0x1  }
0xff: {  	v3 =	vperm.xlane v3, v2;
	_ =	sdelay $0x1  }
0x100: {  	v3 =	vadd.s32 v1, v3  }
0x101: {  	[tilespmem:s14], [sflag:$0x2] =	stream.indirect_vreg.gather [hbm4b:s3+s2], $0x80, v4, vm0, $0xb8;
	[tilespmem:$0x1E400] =	vst v63  }
0x102: {  	_ = 	snop  }
0x103: {  	[tilespmem:s15], [sflag:$0x2] =	stream.indirect_vreg.gather [hbm4b:s5+s2], $0x80, v4, vm1, $0xb8;
	[tilespmem:$0x1E400] =	vst v63  }
0x104: {  	_ = 	snop  }
0x105: {  	[tilespmem:s16], [sflag:$0x2] =	stream.indirect_vreg.gather [hbm4b:s3+s2], $0x80, v3, vm0, $0xb8;
	[tilespmem:$0x1E400] =	vst v63  }
0x106: {  	_ = 	snop  }
0x107: {  	[tilespmem:s17], [sflag:$0x2] =	stream.indirect_vreg.gather [hbm4b:s5+s2], $0x80, v3, vm1, $0xb8;
	[tilespmem:$0x1E400] =	vst v63  }
0x108: {  	v3 =	vld [tilespmem:s30+$0x20];
	_ =	sdelay $0x4  }
0x109: {  	v62 =	vshrl.u32 v3, $0x3  }
0x10a: {  	v4 =	vmul.u32 $0x18, v62  }
0x10b: {  	v3 =	vand.u32 $0x7, v3  }
0x10c: {  	v3 =	vor.u32 v3, v4  }
0x10d: {  	v4 =	vperm.xlane v3, v0;
	_ =	sdelay $0x1  }
0x10e: {  	v4 =	vadd.s32 v1, v4;
	_ =	sdelay $0x1  }
0x10f: {  	v3 =	vperm.xlane v3, v2;
	_ =	sdelay $0x1  }
0x110: {  	v3 =	vadd.s32 v1, v3  }
0x111: {  	[tilespmem:s19], [sflag:$0x2] =	stream.indirect_vreg.gather [hbm4b:s3+s2], $0x80, v4, vm0, $0xb8;
	[tilespmem:$0x1E400] =	vst v63  }
0x112: {  	_ = 	snop  }
0x113: {  	[tilespmem:s20], [sflag:$0x2] =	stream.indirect_vreg.gather [hbm4b:s5+s2], $0x80, v4, vm1, $0xb8;
	[tilespmem:$0x1E400] =	vst v63  }
0x114: {  	_ = 	snop  }
0x115: {  	[tilespmem:s21], [sflag:$0x2] =	stream.indirect_vreg.gather [hbm4b:s3+s2], $0x80, v3, vm0, $0xb8;
	[tilespmem:$0x1E400] =	vst v63  }
0x116: {  	_ = 	snop  }
0x117: {  	[tilespmem:s22], [sflag:$0x2] =	stream.indirect_vreg.gather [hbm4b:s5+s2], $0x80, v3, vm1, $0xb8;
	[tilespmem:$0x1E400] =	vst v63  }
0x118: {  	v3 =	vld [tilespmem:s30+$0x30];
	_ =	sdelay $0x4  }
0x119: {  	v63 =	vshrl.u32 v3, $0x3  }
0x11a: {  	v4 =	vmul.u32 $0x18, v63  }
0x11b: {  	v3 =	vand.u32 $0x7, v3  }
0x11c: {  	v3 =	vor.u32 v3, v4  }
0x11d: {  	v4 =	vperm.xlane v3, v0;
	_ =	sdelay $0x1  }
0x11e: {  	v4 =	vadd.s32 v1, v4;
	_ =	sdelay $0x1  }
0x11f: {  	v3 =	vperm.xlane v3, v2;
	_ =	sdelay $0x1  }
0x120: {  	v3 =	vadd.s32 v1, v3  }
0x121: {  	[tilespmem:s23], [sflag:$0x2] =	stream.indirect_vreg.gather [hbm4b:s3+s2], $0x80, v4, vm0, $0xb8;
	[tilespmem:$0x1E400] =	vst v63  }
0x122: {  	_ = 	snop  }
0x123: {  	[tilespmem:s24], [sflag:$0x2] =	stream.indirect_vreg.gather [hbm4b:s5+s2], $0x80, v4, vm1, $0xb8;
	[tilespmem:$0x1E400] =	vst v63  }
0x124: {  	_ = 	snop  }
0x125: {  	[tilespmem:s25], [sflag:$0x2] =	stream.indirect_vreg.gather [hbm4b:s3+s2], $0x80, v3, vm0, $0xb8;
	[tilespmem:$0x1E400] =	vst v63  }
0x126: {  	_ = 	snop  }
0x127: {  	[tilespmem:s26], [sflag:$0x2] =	stream.indirect_vreg.gather [hbm4b:s5+s2], $0x80, v3, vm1, $0xb8;
	[tilespmem:$0x1E400] =	vst v63  }
0x128: {  	_ =	swait.ge [sflag:s28], $0xC000  }
0x129: {  	p0 =	seq.s32 s31, $0x129000;
	[sflag:s28] =	ssyncset.done $0x0  }
.Ltmp4:
0x12a: {  	s1 =	sadd.s32 s31, s8;
	[sflag:s28] =	ssyncadd.s32 $0xFFFF4000;
	(pc) =	sbr.rel @p0 .LBB2_4-.Ltmp4, $4  }
0x12b: {  	[hbm4b:s1+s2] =	stream.linear.scatter [tilespmem:s10], [sflag:$0x3], $0xC000, $0x38;
	[tilespmem:$0x1E400] =	vst v63  }
0x12c: {  	_ =	swait.ge [sflag:s9], $0xC000  }
0x12d: {  	[sflag:s9] =	ssyncset.done $0x0  }
0x12e: {  	[sflag:s9] =	ssyncadd.s32 $0xFFFF4000  }
0x12f: {  	v3 =	vld [tilespmem:s30+$0x40];
	_ =	sdelay $0x4  }
0x130: {  	v4 =	vshrl.u32 v3, $0x3  }
0x131: {  	v4 =	vmul.u32 $0x18, v4  }
0x132: {  	v3 =	vand.u32 $0x7, v3  }
0x133: {  	v3 =	vor.u32 v3, v4  }
0x134: {  	v4 =	vperm.xlane v3, v0;
	_ =	sdelay $0x1  }
0x135: {  	v4 =	vadd.s32 v1, v4;
	_ =	sdelay $0x1  }
0x136: {  	v3 =	vperm.xlane v3, v2;
	_ =	sdelay $0x1  }
0x137: {  	v3 =	vadd.s32 v1, v3  }
0x138: {  	[tilespmem:s10], [sflag:$0x1] =	stream.indirect_vreg.gather [hbm4b:s3+s2], $0x80, v4, vm0, $0xb8;
	[tilespmem:$0x1E400] =	vst v63  }
0x139: {  	s1 =	simm.s32 $0x6C00  }
0x13a: {  	[tilespmem:s1], [sflag:$0x1] =	stream.indirect_vreg.gather [hbm4b:s5+s2], $0x80, v4, vm1, $0xb8;
	[tilespmem:$0x1E400] =	vst v63  }
0x13b: {  	s1 =	simm.s32 $0x7000  }
0x13c: {  	[tilespmem:s1], [sflag:$0x1] =	stream.indirect_vreg.gather [hbm4b:s3+s2], $0x80, v3, vm0, $0xb8;
	[tilespmem:$0x1E400] =	vst v63  }
0x13d: {  	s1 =	simm.s32 $0x7800  }
0x13e: {  	[tilespmem:s1], [sflag:$0x1] =	stream.indirect_vreg.gather [hbm4b:s5+s2], $0x80, v3, vm1, $0xb8;
	[tilespmem:$0x1E400] =	vst v63  }
0x13f: {  	v3 =	vld [tilespmem:s30+$0x50];
	_ =	sdelay $0x4  }
0x140: {  	v57 =	vshrl.u32 v3, $0x3  }
0x141: {  	v4 =	vmul.u32 $0x18, v57  }
0x142: {  	v3 =	vand.u32 $0x7, v3  }
0x143: {  	v3 =	vor.u32 v3, v4  }
0x144: {  	v4 =	vperm.xlane v3, v0;
	_ =	sdelay $0x1  }
0x145: {  	v4 =	vadd.s32 v1, v4;
	_ =	sdelay $0x1  }
0x146: {  	v3 =	vperm.xlane v3, v2;
	_ =	sdelay $0x1  }
0x147: {  	s1 =	simm.s32 $0x7C00;
	v3 =	vadd.s32 v1, v3  }
0x148: {  	[tilespmem:s1], [sflag:$0x1] =	stream.indirect_vreg.gather [hbm4b:s3+s2], $0x80, v4, vm0, $0xb8;
	[tilespmem:$0x1E400] =	vst v63  }
0x149: {  	s1 =	simm.s32 $0x8400  }
0x14a: {  	[tilespmem:s1], [sflag:$0x1] =	stream.indirect_vreg.gather [hbm4b:s5+s2], $0x80, v4, vm1, $0xb8;
	[tilespmem:$0x1E400] =	vst v63  }
0x14b: {  	s1 =	simm.s32 $0x8800  }
0x14c: {  	[tilespmem:s1], [sflag:$0x1] =	stream.indirect_vreg.gather [hbm4b:s3+s2], $0x80, v3, vm0, $0xb8;
	[tilespmem:$0x1E400] =	vst v63  }
0x14d: {  	s1 =	simm.s32 $0x9000  }
0x14e: {  	[tilespmem:s1], [sflag:$0x1] =	stream.indirect_vreg.gather [hbm4b:s5+s2], $0x80, v3, vm1, $0xb8;
	[tilespmem:$0x1E400] =	vst v63  }
0x14f: {  	v3 =	vld [tilespmem:s30+$0x60];
	_ =	sdelay $0x4  }
0x150: {  	v58 =	vshrl.u32 v3, $0x3  }
0x151: {  	v4 =	vmul.u32 $0x18, v58  }
0x152: {  	v3 =	vand.u32 $0x7, v3  }
0x153: {  	v3 =	vor.u32 v3, v4  }
0x154: {  	v4 =	vperm.xlane v3, v0;
	_ =	sdelay $0x1  }
0x155: {  	v4 =	vadd.s32 v1, v4;
	_ =	sdelay $0x1  }
0x156: {  	v3 =	vperm.xlane v3, v2;
	_ =	sdelay $0x1  }
0x157: {  	s1 =	simm.s32 $0x9400;
	v3 =	vadd.s32 v1, v3  }
0x158: {  	[tilespmem:s1], [sflag:$0x1] =	stream.indirect_vreg.gather [hbm4b:s3+s2], $0x80, v4, vm0, $0xb8;
	[tilespmem:$0x1E400] =	vst v63  }
0x159: {  	s1 =	simm.s32 $0x9C00  }
0x15a: {  	[tilespmem:s1], [sflag:$0x1] =	stream.indirect_vreg.gather [hbm4b:s5+s2], $0x80, v4, vm1, $0xb8;
	[tilespmem:$0x1E400] =	vst v63  }
0x15b: {  	s1 =	simm.s32 $0xA000  }
0x15c: {  	[tilespmem:s1], [sflag:$0x1] =	stream.indirect_vreg.gather [hbm4b:s3+s2], $0x80, v3, vm0, $0xb8;
	[tilespmem:$0x1E400] =	vst v63  }
0x15d: {  	s1 =	simm.s32 $0xA800  }
0x15e: {  	[tilespmem:s1], [sflag:$0x1] =	stream.indirect_vreg.gather [hbm4b:s5+s2], $0x80, v3, vm1, $0xb8;
	[tilespmem:$0x1E400] =	vst v63  }
0x15f: {  	v3 =	vld [tilespmem:s30+$0x70];
	_ =	sdelay $0x4  }
0x160: {  	v59 =	vshrl.u32 v3, $0x3  }
0x161: {  	v4 =	vmul.u32 $0x18, v59  }
0x162: {  	v3 =	vand.u32 $0x7, v3  }
0x163: {  	v3 =	vor.u32 v3, v4  }
0x164: {  	v4 =	vperm.xlane v3, v0;
	_ =	sdelay $0x1  }
0x165: {  	v4 =	vadd.s32 v1, v4;
	_ =	sdelay $0x1  }
0x166: {  	v3 =	vperm.xlane v3, v2;
	_ =	sdelay $0x1  }
0x167: {  	s1 =	simm.s32 $0xAC00;
	v3 =	vadd.s32 v1, v3  }
0x168: {  	[tilespmem:s1], [sflag:$0x1] =	stream.indirect_vreg.gather [hbm4b:s3+s2], $0x80, v4, vm0, $0xb8;
	[tilespmem:$0x1E400] =	vst v63  }
0x169: {  	s1 =	simm.s32 $0xB400  }
0x16a: {  	[tilespmem:s1], [sflag:$0x1] =	stream.indirect_vreg.gather [hbm4b:s5+s2], $0x80, v4, vm1, $0xb8;
	[tilespmem:$0x1E400] =	vst v63  }
0x16b: {  	s1 =	simm.s32 $0xB800  }
0x16c: {  	[tilespmem:s1], [sflag:$0x1] =	stream.indirect_vreg.gather [hbm4b:s3+s2], $0x80, v3, vm0, $0xb8;
	[tilespmem:$0x1E400] =	vst v63  }
0x16d: {  	s1 =	simm.s32 $0xC000  }
0x16e: {  	[tilespmem:s1], [sflag:$0x1] =	stream.indirect_vreg.gather [hbm4b:s5+s2], $0x80, v3, vm1, $0xb8;
	[tilespmem:$0x1E400] =	vst v63  }
0x16f: {  	v3 =	vld [tilespmem:s30+$0x80];
	_ =	sdelay $0x4  }
0x170: {  	v60 =	vshrl.u32 v3, $0x3  }
0x171: {  	v4 =	vmul.u32 $0x18, v60  }
0x172: {  	v3 =	vand.u32 $0x7, v3  }
0x173: {  	v3 =	vor.u32 v3, v4  }
0x174: {  	v4 =	vperm.xlane v3, v0;
	_ =	sdelay $0x1  }
0x175: {  	v4 =	vadd.s32 v1, v4;
	_ =	sdelay $0x1  }
0x176: {  	v3 =	vperm.xlane v3, v2;
	_ =	sdelay $0x1  }
0x177: {  	s1 =	simm.s32 $0xC400;
	v3 =	vadd.s32 v1, v3  }
0x178: {  	[tilespmem:s1], [sflag:$0x1] =	stream.indirect_vreg.gather [hbm4b:s3+s2], $0x80, v4, vm0, $0xb8;
	[tilespmem:$0x1E400] =	vst v63  }
0x179: {  	s1 =	simm.s32 $0xCC00  }
0x17a: {  	[tilespmem:s1], [sflag:$0x1] =	stream.indirect_vreg.gather [hbm4b:s5+s2], $0x80, v4, vm1, $0xb8;
	[tilespmem:$0x1E400] =	vst v63  }
0x17b: {  	s1 =	simm.s32 $0xD000  }
0x17c: {  	[tilespmem:s1], [sflag:$0x1] =	stream.indirect_vreg.gather [hbm4b:s3+s2], $0x80, v3, vm0, $0xb8;
	[tilespmem:$0x1E400] =	vst v63  }
0x17d: {  	s1 =	simm.s32 $0xD800  }
0x17e: {  	[tilespmem:s1], [sflag:$0x1] =	stream.indirect_vreg.gather [hbm4b:s5+s2], $0x80, v3, vm1, $0xb8;
	[tilespmem:$0x1E400] =	vst v63  }
0x17f: {  	v3 =	vld [tilespmem:s30+$0x90];
	_ =	sdelay $0x4  }
0x180: {  	v61 =	vshrl.u32 v3, $0x3  }
0x181: {  	v4 =	vmul.u32 $0x18, v61  }
0x182: {  	v3 =	vand.u32 $0x7, v3  }
0x183: {  	v3 =	vor.u32 v3, v4  }
0x184: {  	v4 =	vperm.xlane v3, v0;
	_ =	sdelay $0x1  }
0x185: {  	v4 =	vadd.s32 v1, v4;
	_ =	sdelay $0x1  }
0x186: {  	v3 =	vperm.xlane v3, v2;
	_ =	sdelay $0x1  }
0x187: {  	s1 =	simm.s32 $0xDC00;
	v3 =	vadd.s32 v1, v3  }
0x188: {  	[tilespmem:s1], [sflag:$0x1] =	stream.indirect_vreg.gather [hbm4b:s3+s2], $0x80, v4, vm0, $0xb8;
	[tilespmem:$0x1E400] =	vst v63  }
0x189: {  	s1 =	simm.s32 $0xE400  }
0x18a: {  	[tilespmem:s1], [sflag:$0x1] =	stream.indirect_vreg.gather [hbm4b:s5+s2], $0x80, v4, vm1, $0xb8;
	[tilespmem:$0x1E400] =	vst v63  }
0x18b: {  	s1 =	simm.s32 $0xE800  }
0x18c: {  	[tilespmem:s1], [sflag:$0x1] =	stream.indirect_vreg.gather [hbm4b:s3+s2], $0x80, v3, vm0, $0xb8;
	[tilespmem:$0x1E400] =	vst v63  }
0x18d: {  	s1 =	simm.s32 $0xF000  }
0x18e: {  	[tilespmem:s1], [sflag:$0x1] =	stream.indirect_vreg.gather [hbm4b:s5+s2], $0x80, v3, vm1, $0xb8;
	[tilespmem:$0x1E400] =	vst v63  }
0x18f: {  	v3 =	vld [tilespmem:s30+$0xA0];
	_ =	sdelay $0x4  }
0x190: {  	v62 =	vshrl.u32 v3, $0x3  }
0x191: {  	v4 =	vmul.u32 $0x18, v62  }
0x192: {  	v3 =	vand.u32 $0x7, v3  }
0x193: {  	v3 =	vor.u32 v3, v4  }
0x194: {  	v4 =	vperm.xlane v3, v0;
	_ =	sdelay $0x1  }
0x195: {  	v4 =	vadd.s32 v1, v4;
	_ =	sdelay $0x1  }
0x196: {  	v3 =	vperm.xlane v3, v2;
	_ =	sdelay $0x1  }
0x197: {  	s1 =	simm.s32 $0xF400;
	v3 =	vadd.s32 v1, v3  }
0x198: {  	[tilespmem:s1], [sflag:$0x1] =	stream.indirect_vreg.gather [hbm4b:s3+s2], $0x80, v4, vm0, $0xb8;
	[tilespmem:$0x1E400] =	vst v63  }
0x199: {  	s1 =	simm.s32 $0xFC00  }
0x19a: {  	[tilespmem:s1], [sflag:$0x1] =	stream.indirect_vreg.gather [hbm4b:s5+s2], $0x80, v4, vm1, $0xb8;
	[tilespmem:$0x1E400] =	vst v63  }
0x19b: {  	s1 =	simm.s32 $0x10000  }
0x19c: {  	[tilespmem:s1], [sflag:$0x1] =	stream.indirect_vreg.gather [hbm4b:s3+s2], $0x80, v3, vm0, $0xb8;
	[tilespmem:$0x1E400] =	vst v63  }
0x19d: {  	s1 =	simm.s32 $0x10800  }
0x19e: {  	[tilespmem:s1], [sflag:$0x1] =	stream.indirect_vreg.gather [hbm4b:s5+s2], $0x80, v3, vm1, $0xb8;
	[tilespmem:$0x1E400] =	vst v63  }
0x19f: {  	v3 =	vld [tilespmem:s30+$0xB0];
	_ =	sdelay $0x4  }
0x1a0: {  	v63 =	vshrl.u32 v3, $0x3  }
0x1a1: {  	v4 =	vmul.u32 $0x18, v63  }
0x1a2: {  	v3 =	vand.u32 $0x7, v3  }
0x1a3: {  	v3 =	vor.u32 v3, v4  }
0x1a4: {  	v4 =	vperm.xlane v3, v0;
	_ =	sdelay $0x1  }
0x1a5: {  	v4 =	vadd.s32 v1, v4;
	_ =	sdelay $0x2  }
0x1a6: {  	v3 =	vperm.xlane v3, v2  }
0x1a7: {  	s1 =	simm.s32 $0x10C00  }
0x1a8: {  	v3 =	vadd.s32 v1, v3;
	[tilespmem:s1], [sflag:$0x1] =	stream.indirect_vreg.gather [hbm4b:s3+s2], $0x80, v4, vm0, $0xb8;
	[tilespmem:$0x1E400] =	vst v63  }
0x1a9: {  	s1 =	simm.s32 $0x11400  }
0x1aa: {  	[tilespmem:s1], [sflag:$0x1] =	stream.indirect_vreg.gather [hbm4b:s5+s2], $0x80, v4, vm1, $0xb8;
	[tilespmem:$0x1E400] =	vst v63  }
.Ltmp5:
0x1ab: {  	_ = 	snop;
	(pc) =	sbr.rel .LBB2_4-.Ltmp5, $4  }
0x1ac: {  	s1 =	simm.s32 $0x11800  }
0x1ad: {  	[tilespmem:s1], [sflag:$0x1] =	stream.indirect_vreg.gather [hbm4b:s3+s2], $0x80, v3, vm0, $0xb8;
	[tilespmem:$0x1E400] =	vst v63  }
0x1ae: {  	s1 =	simm.s32 $0x12000  }
0x1af: {  	[tilespmem:s1], [sflag:$0x1] =	stream.indirect_vreg.gather [hbm4b:s5+s2], $0x80, v3, vm1, $0xb8;
	[tilespmem:$0x1E400] =	vst v63  }
.LBB2_6:
0x1b0: {  	_ =	sfence.sel $0x180000  }
0x1b1: {  	[bflag:$0x0] =	sbarrier.arrive $0xFFFF  }
0x1b2: {  	_ =	strace $0x90000047  }
0x1b3: {  	s0 =	stileid.u32;
	[bflag:$0x2] =	sbarrier.arrive $0xFFFF  }
0x1b4: {  	p0 =	sne.s32 s0, $0x0;
	s0 =	rddreg [dreg:$0x1]  }
0x1b5: {  	s0 =	sadd.s32 @!p0 $0x100000, s0  }
0x1b6: {  	[sflag:s0] =	ssyncadd.tile.s32 @!p0 $0x1;
	_ =	shalt  }
.Lfunc_end2:
_tile_overlayer_lowered:
.L_overlay_start_2:
0x1b7: {  	(tag) =	ssettag $0x2  }
0x1b8: {  	s0 =	rddreg [dreg:$0x0];
	s2 =	stileid.u32  }
0x1b9: {  	s1 =	rddreg [dreg:$0x1];
	p0 =	sne.s32 s2, $0x0  }
0x1ba: {  	s3 =	rddreg [dreg:$0x2];
	[bflag:$0x3] =	sbarrier.arrive $0xFFFF;
	s2 =	simm.s32 @!p0 $0x1C03  }
0x1bb: {  	[timem:s3], [sflag:s2] =	dma.local @!p0 [hbm:s0], s1  }
0x1bc: {  	s0 =	simm.s32 @!p0 $0x3  }
0x1bd: {  	_ =	swait.ge @!p0 [sflag:s0], s1  }
0x1be: {  	s1 =	ssub.s32 @!p0 $0x0, s1;
	[sflag:s0] =	ssyncset.done @!p0 $0x0  }
0x1bf: {  	[sflag:s0] =	ssyncadd.s32 @!p0 s1  }
0x1c0: {  	[bflag:$0x3] =	sbarrier.arrive $0xFFFF  }
0x1c1: {  	_ =	shalt  }

// kernel: sparse-core-data-format-call.cloned.1.call-start
scs
called_computation_lowered:
.L_overlay_start_0:
0x0: {  	s2 =	sld [smem:$0x3FD9]  }
0x1: {  	s3 =	sld [smem:$0x3FFE];
	_ =	sdelay $0x1  }
0x2: {  	s1 =	srdreg.scid  }
0x3: {  	s0 =	sand.u32 $0x1, s1  }
0x4: {  	s18 =	sshll.u32 s0, $0xA;
	s2 =	sadd.s32 s3, s2  }
0x5: {  	s2 =	sadd.s32 s2, s18  }
0x6: {  	[smem:$0x3FC5] =	sst s2  }
0x7: {  	_ = 	snop  }
0x8: {  	s2 =	sld [smem:$0x3FD0];
	(tm) =	ssettm $0x1  }
0x9: {  	s19 =	sld [smem:$0x3FFB];
	_ =	sdelay $0x3  }
0xa: {  	_ =	strace s19  }
0xb: {  	s3 =	sld [smem:$0x3FFC];
	_ =	sdelay $0x3  }
0xc: {  	_ =	strace s3  }
0xd: {  	s3 =	sld [smem:$0x3FFD];
	_ =	sdelay $0x3  }
0xe: {  	_ =	strace s3  }
0xf: {  	_ =	strace $0x8FFFFFFF  }
0x10: {  	s20 =	sld [smem:$0x3FDB];
	_ =	sdelay $0x1  }
0x11: {  	s4 =	simm.s32 $_scs_section_size  }
0x12: {  	s5 =	simm.s32 $_size__tile_overlayer_lowered;
	s6 =	simm.s32 $_tile_overlayer_lowered  }
0x13: {  	s23 =	simm.s32 $0x1BFF;
	s22 =	sshll.u32 s6, $0x1;
	s3 =	sadd.s32 s4, s20  }
0x14: {  	s7 =	simm.s32 $0x0;
	s21 =	sshll.u32 s5, $0x1;
	s5 =	sadd.s32 s22, s3  }
0x15: {  	[timem:s7], [sflag:s23] =	dma.local [hbm:s5], s21  }
0x16: {  	_ =	swait.ge [sflag:s23], s21  }
0x17: {  	s4 =	ssub.s32 $0x0, s21;
	[sflag:s23] =	ssyncset.done $0x0  }
0x18: {  	[sflag:s23] =	ssyncadd.s32 s4;
	_ =	sdelay $0x1  }
0x19: {  	s24 =	simm.s32 $0x1B8B  }
0x1a: {  	_ =	swait.ge [sflag:s24], $0x1  }
0x1b: {  	[sflag:s24] =	ssyncset.done $0x0  }
0x1c: {  	s26 =	simm.s32 $0x1B8E;
	s25 =	sld [smem:$0x3FFE];
	[sflag:s24] =	ssyncadd.s32 $0xFFFFFFFF  }
0x1d: {  	s27 =	simm.s32 $execute0_lowered;
	[smem:$0x3FD2] =	sst s26  }
0x1e: {  	s5 =	sshll.u32 s27, $0x1;
	_ =	strace $0x80000049;
	[dreg:$0x1] =	wrdreg $0xFFFFFFFF  }
0x1f: {  	s28 =	simm.s32 $_size_execute0_lowered;
	s3 =	sadd.s32 s3, s5;
	[dreg:$0x0] =	wrdreg $0x0  }
0x20: {  	s5 =	sshll.u32 s28, $0x1;
	[dreg:$0x2] =	wrdreg s3  }
0x21: {  	[dreg:$0x3] =	wrdreg s5  }
0x22: {  	[dreg:$0x4] =	wrdreg $0xC0  }
0x23: {  	_ =	task [dreg:s7], $0x5FFFF  }
0x24: {  	[dreg:$0x1] =	wrdreg $0xFFFFFFFF  }
0x25: {  	[dreg:$0x0] =	wrdreg $0x60  }
0x26: {  	[dreg:$0x2] =	wrdreg s25  }
0x27: {  	[dreg:$0x3] =	wrdreg s2  }
0x28: {  	[dreg:$0x4] =	wrdreg $0x9  }
0x29: {  	_ =	task.clear_ibuf [dreg:s7], $0x5FFFF;
	_ =	strace $0x90000049  }
0x2a: {  	s29 =	simm.s32 $0x9;
	_ =	strace $0x8000004B  }
0x2b: {  	_ =	swait.ge [sflag:s29], $0x1  }
0x2c: {  	[sflag:s29] =	ssyncadd.s32 $0xFFFFFFFF  }
0x2d: {  	_ =	strace $0x9000004B  }
0x2e: {  	_ =	sfence  }
0x2f: {  	s30 =	sld [smem:$0x0];
	_ =	sdelay $0x2  }
0x30: {  	s31 =	sshll.u32 s1, $0xD;
	s1 =	sshrl.u32 s1, $0x2  }
0x31: {  	s3 =	sand.u32 $0x4000, s31;
	s1 =	sadd.s32 s1, s30  }
0x32: {  	s0 =	sor.u32 s3, s0;
	s1 =	sshll.u32 s1, $0x11  }
0x33: {  	s0 =	sor.u32 s1, s0  }
0x34: {  	s0 =	sadd.s32 $0x8F2B, s0  }
0x35: {  	[sflag:s0] =	ssyncadd.remote.s32 $0x1  }
0x36: {  	_ =	sfence.sel $0xFFFF  }
0x37: {  	[dreg:$0x0] =	wrdreg $0xFFFFFFFF;
	(pc) =	sbr.abs _section_cstart, $3  }
0x38: {  	[dreg:$0x1] =	wrdreg $0xFFFFFFFF  }
0x39: {  	_ =	task.clear_ibuf [dreg:s7], $0x2FFFF;
	_ =	strace $0x9FFFFFFF  }
0x3a: {  	(tm) =	ssettm $0x7FFFFFFF  }
0x3b: {  	_ =	shalt  }
tec
execute0_lowered:
.L_overlay_start_1:
0x0: {  	(tag) =	ssettag $0x1  }
0x1: {  	s0 =	srdreg.scid;
	s6 =	rddreg [dreg:$0x0]  }
0x2: {  	s3 =	rddreg [dreg:$0x1];
	s1 =	sshll.u32 s0, $0x4  }
0x3: {  	s5 =	simm.s32 $0x1;
	s0 =	stileid.u32;
	s1 =	sand.u32 $0x10, s1  }
0x4: {  	s31 =	simm.s32 $0x2;
	s18 =	simm.s32 $0x0;
	s1 =	sor.u32 s0, s1  }
0x5: {  	s8 =	simm.s32 $0xC8000;
	s17 =	simm.s32 $0x0;
	s2 =	sshll.u32 s1, $0x7  }
0x6: {  	s16 =	simm.s32 $0x0;
	s9 =	simm.s32 $0x0;
	s4 =	ssub.s32 $0x1000, s2  }
0x7: {  	s10 =	simm.s32 $0x0;
	s11 =	simm.s32 $0x0;
	s30 =	sand.u32 $0xF80, s4  }
0x8: {  	s12 =	simm.s32 $0x0;
	s13 =	simm.s32 $0x0;
	p0 =	sne.s32 s30, $0x0  }
.Ltmp0:
0x9: {  	s7 =	sshrl.u32 s4, $0xC;
	s5 =	simm.s32 @!p0 $0x0;
	(pc) =	sbr.rel .LBB1_1-.Ltmp0, $4  }
0xa: {  	s15 =	simm.s32 $0x0;
	s1 =	rddreg [dreg:$0x2];
	s5 =	sadd.s32 s5, s7  }
0xb: {  	_ =	strace $0x8000004A;
	s4 =	simm.s32 $0x1;
	s5 =	smul.u32 $0x258, s5  }
0xc: {  	s6 =	sadd.s32 $0x4AD800, s6;
	s14 =	smov.u32 s2;
	[sflag:s4] =	ssyncpa.u1 $0x0  }
0xd: {  	[sflag:s31] =	ssyncpa.u1 $0x0;
	p0 =	por $0x0, $0x0;
	s7 =	sor.u32 $0x1, s5  }
.LBB1_4:
0xe: {  	s23 =	sshra.s32 s23, $0x2;
	s24 =	sshll.u32 s10, $0xC  }
0xf: {  	p1 =	sgt.s32 s10, $0xC7;
	s26 =	smov.u32 s10;
	s27 =	sshra.s32 s10, $0x1F  }
0x10: {  	s28 =	smov.u32 s9;
	s29 =	sshra.s32 s11, $0x1F;
	s22 =	sadd.s32 s23, s22  }
0x11: {  	s30 =	sand.u32 $0xFFFF8000, s24;
	s24 =	sshll.u32 s11, $0x3;
	s26 =	simm.s32 @!p1 $0xC7  }
0x12: {  	p1 =	sgt.s32 s9, $0xAC;
	s27 =	sand.u32 s27, s10;
	s31 =	sand.u32 s29, s11  }
0x13: {  	s29 =	sshll.u32 s10, $0x7;
	s25 =	sand.u32 $0xFFFFFC00, s24;
	s28 =	simm.s32 @!p1 $0xAC  }
0x14: {  	p1 =	sgt.s32 s11, $0xF80;
	s23 =	sadd.s32 s25, s30;
	s25 =	ssub.s32 s26, s27  }
0x15: {  	[tilespmem:s21+$0x2040 ss:$0x81] =	vst.msk $0xffff, v4;
	s27 =	smov.u32 s11;
	s30 =	sshra.s32 s9, $0x1F;
	s26 =	sadd.s32 $0xFFFFFF39, s25  }
0x16: {  	v5 =	vld [tilespmem:s20+$0xFFFFFFD0];
	[tilespmem:s21+$0x2850 ss:$0x81] =	vst.msk $0xffff, v3;
	s27 =	simm.s32 @!p1 $0xF80;
	s23 =	sshrl.u32 s23, $0xC;
	s25 =	ssub.s32 $0xC8, s25  }
0x17: {  	v58 =	vld [tilespmem:s20+$0xFFFFFFE0];
	[tilespmem:s21+$0x3060 ss:$0x81] =	vst.msk $0xffff, v2;
	p1 =	sgt.s32 s26, $0x0;
	s26 =	ssub.s32 s27, s31;
	s27 =	sand.u32 s30, s9  }
0x18: {  	v59 =	vld [tilespmem:s20+$0xFFFFFFF0];
	[tilespmem:s21+$0x0 ss:$0x81] =	vst.msk $0xffff, v1;
	s21 =	smulhi.u32 $0x147AE15, s23;
	s30 =	sand.u32 $0x78, s11;
	s27 =	ssub.s32 s28, s27  }
0x19: {  	v60 =	vld [tilespmem:s20+$0x0];
	s25 =	simm.s32 @p1 $0x0;
	s31 =	sadd.s32 $0xFFFFF080, s26;
	s26 =	ssub.s32 $0x1000, s26  }
0x1a: {  	v61 =	vld [tilespmem:s20+$0x10];
	[tilespmem:s22+$0x3870 ss:$0x81] =	vst.msk $0xffff, v0;
	p1 =	sgt.s32 s31, $0x7F;
	s28 =	sadd.s32 $0xFFFFFF54, s27;
	s31 =	sand.u32 $0x380, s29  }
0x1b: {  	v62 =	vld [tilespmem:s20+$0x20];
	[tilespmem:s22+$0x810 ss:$0x81] =	vst.msk $0xffff, v5;
	s29 =	sand.u32 $0xC00, s24;
	s21 =	smul.u32 $0xC8, s21;
	s24 =	ssub.s32 $0x12C, s27  }
0x1c: {  	v63 =	vld [tilespmem:s20+$0xFFFFFFC0];
	[tilespmem:s22+$0x1020 ss:$0x81] =	vst.msk $0xffff, v58;
	s26 =	simm.s32 @p1 $0x0;
	s20 =	sor.u32 s30, s29;
	s30 =	smul.u32 $0x19000, s9  }
0x1d: {  	[tilespmem:s22+$0x1830 ss:$0x81] =	vst.msk $0xffff, v59;
	p1 =	sgt.s32 s28, $0x7F;
	s28 =	sand.u32 $0x7, s11;
	s25 =	smul.u32 s26, s25  }
0x1e: {  	[tilespmem:s22+$0x2040 ss:$0x81] =	vst.msk $0xffff, v60;
	s24 =	simm.s32 @p1 $0x0;
	s20 =	sor.u32 s31, s20;
	s21 =	ssub.s32 s23, s21  }
0x1f: {  	[tilespmem:s22+$0x2850 ss:$0x81] =	vst.msk $0xffff, v61;
	s20 =	sshrl.u32 s20, $0x3;
	s27 =	sadd.s32 s3, s30;
	s31 =	smul.u32 s24, s25  }
0x20: {  	[tilespmem:s22+$0x3060 ss:$0x81] =	vst.msk $0xffff, v62;
	s29 =	sshll.u32 s28, $0x12;
	s21 =	sshll.u32 s21, $0x9;
	s20 =	sadd.s32 s20, s27  }
0x21: {  	[tilespmem:s22+$0x0 ss:$0x81] =	vst.msk $0xffff, v63;
	s20 =	sadd.s32 s21, s20;
	s30 =	sand.u32 $0x3FFFFFFF, s31;
	s31 =	sor.u32 $0x80, s29  }
0x22: {  	[hbm4b:s20+s31] =	stream.strided.scatter [tilespmem:s19], [sflag:$0x2], s30, s8, s31, $0x20;
	[tilespmem:$0x10100] =	vst v63  }
.LBB1_5:
0x23: {  	p1 =	slt.u32 s15, $0x2  }
0x24: {  	p2 =	sgt.s32 @!p1 s18, $0xAC  }
0x25: {  	s19 =	smov.u32 s18;
	s20 =	sshra.s32 @!p1 s18, $0x1F;
	p2 =	por !p2, p1  }
0x26: {  	s18 =	sand.u32 @!p1 s20, s18;
	s19 =	simm.s32 @p2 $0xAC  }
0x27: {  	s20 =	sshra.s32 @!p1 s17, $0x1F;
	p2 =	sgt.s32 @!p1 s17, $0xC7;
	s18 =	ssub.s32 @!p1 s19, s18  }
0x28: {  	p2 =	por !p2, p1;
	s19 =	smov.u32 s17;
	s17 =	sand.u32 @!p1 s20, s17  }
0x29: {  	s20 =	sshra.s32 @!p1 s16, $0x1F;
	s19 =	simm.s32 @p2 $0xC7;
	p2 =	sgt.s32 @!p1 s16, $0xF80  }
0x2a: {  	s17 =	ssub.s32 @!p1 s19, s17;
	p2 =	por !p2, p1;
	s19 =	smov.u32 s16  }
0x2b: {  	s16 =	sand.u32 @!p1 s20, s16;
	s20 =	sadd.s32 @!p1 $0xFFFFFF39, s17;
	s19 =	simm.s32 @p2 $0xF80  }
0x2c: {  	p2 =	sgt.s32 @!p1 s20, $0x0;
	s16 =	ssub.s32 @!p1 s19, s16  }
0x2d: {  	s17 =	ssub.s32 @!p1 $0xC8, s17;
	p2 =	por !p2, p1;
	s19 =	sadd.s32 @!p1 $0xFFFFF080, s16  }
0x2e: {  	s17 =	simm.s32 @!p2 $0x0;
	p2 =	sgt.s32 @!p1 s19, $0x7F  }
0x2f: {  	s21 =	smov.u32 s14;
	s16 =	ssub.s32 @!p1 $0x1000, s16;
	p2 =	por !p2, p1  }
0x30: {  	s20 =	sadd.s32 @!p1 $0xFFFFFF54, s18;
	s19 =	sadd.s32 $0x80, s12;
	s16 =	simm.s32 @!p2 $0x0  }
0x31: {  	p2 =	sgt.s32 s19, $0x12B;
	s16 =	smul.u32 @!p1 s16, s17;
	s17 =	simm.s32 $0x1  }
0x32: {  	p0 =	por !p0, !p0;
	p3 =	sgt.s32 @!p1 s20, $0x7F;
	s17 =	simm.s32 @!p2 $0x0  }
0x33: {  	s18 =	ssub.s32 @!p1 $0x12C, s18;
	p3 =	por !p3, p1;
	s20 =	sadd.s32 s17, s13  }
0x34: {  	s18 =	simm.s32 @!p3 $0x0;
	s17 =	sadd.s32 $0x1000, s14;
	p3 =	sgt.s32 s20, $0xC7  }
0x35: {  	s22 =	simm.s32 @!p1 $0x2;
	s19 =	simm.s32 @p2 $0x0;
	s21 =	smov.u32 @p3 s17  }
0x36: {  	s16 =	smul.u32 @!p1 s18, s16;
	s18 =	smov.u32 s9;
	p2 =	sgt.s32 s21, $0xFFF  }
0x37: {  	s9 =	smov.u32 s12;
	s21 =	smov.u32 @p2 s2;
	p2 =	sne.s32 s15, s7  }
.Ltmp1:
0x38: {  	s12 =	smov.u32 s19;
	s16 =	sand.u32 @!p1 $0x3FFFFFFF, s16;
	(pc) =	sbr.rel @!p2 .LBB1_6-.Ltmp1, $4  }
0x39: {  	s20 =	simm.s32 @p3 $0x0;
	s17 =	smov.u32 s10;
	s10 =	smov.u32 s13  }
0x3a: {  	_ =	swait.ge @!p1 [sflag:s22], s16;
	s23 =	ssub.s32 @!p1 $0x0, s16;
	s16 =	smov.u32 s11  }
0x3b: {  	s11 =	smov.u32 s14;
	s13 =	smov.u32 s20;
	[sflag:s22] =	ssyncset.done @!p1 $0x0  }
0x3c: {  	s15 =	sadd.s32 $0x1, s15;
	[sflag:s22] =	ssyncadd.s32 @!p1 s23;
	s14 =	smov.u32 s21  }
.LBB1_1:
0x3d: {  	p1 =	sge.u32 s15, s5  }
0x3e: {  	s19 =	sshrl.u32 @!p1 s13, $0x3  }
0x3f: {  	s20 =	sshll.u32 @!p1 s12, $0x3;
	s19 =	smul.u32 @!p1 $0xC00, s19  }
0x40: {  	s21 =	sshll.u32 @!p1 s13, $0x7;
	s20 =	sand.u32 @!p1 $0xFFFFFC00, s20  }
0x41: {  	s19 =	sadd.s32 @!p1 s19, s20;
	s20 =	sand.u32 @!p1 $0x380, s21  }
0x42: {  	s19 =	sor.u32 @!p1 s20, s19  }
0x43: {  	s20 =	sand.u32 @!p1 $0x7F, s12;
	s21 =	smulhi.u32 @!p1 $0xAAAAAAAB, s19  }
0x44: {  	s19 =	sor.u32 @!p1 s20, s19  }
0x45: {  	s20 =	smulhi.u32 @!p1 $0xAAAAAAAB, s19;
	s21 =	sshrl.u32 @!p1 s21, $0x8  }
0x46: {  	s22 =	smulhi.u32 @!p1 $0x147AE15, s21;
	_ =	sdelay $0x1  }
0x47: {  	s20 =	sshrl.u32 @!p1 s20, $0x8;
	s22 =	smul.u32 @!p1 $0xC8, s22  }
0x48: {  	s31 =	sadd.s32 $0xFFFFFFFF, s15;
	s20 =	smul.u32 @!p1 $0x180, s20  }
0x49: {  	s23 =	sxor.u32 @!p1 $0xFFFFFFFF, s15;
	s21 =	ssub.s32 @!p1 s21, s22;
	s22 =	smul.u32 @!p1 $0x2580, s14  }
0x4a: {  	s23 =	sshll.u32 @!p1 s23, $0xE;
	s19 =	ssub.s32 @!p1 s19, s20;
	s20 =	smul.u32 @!p1 $0x30, s21  }
0x4b: {  	s21 =	sand.u32 @!p1 $0x4000, s23;
	s23 =	sand.u32 @!p1 $0x7, s19;
	s22 =	sadd.s32 @!p1 s6, s22  }
0x4c: {  	s19 =	sshrl.u32 @!p1 s19, $0x3;
	s20 =	sadd.s32 @!p1 s20, s22;
	s22 =	sshll.u32 @!p1 s23, $0x12  }
0x4d: {  	s19 =	sadd.s32 @!p1 s19, s20;
	s20 =	sor.u32 @!p1 $0x80, s22;
	s22 =	simm.s32 @!p1 $0x12C00  }
0x4e: {  	[tilespmem:s21], [sflag:$0x1] =	stream.strided.gather @!p1 [hbm4b:s19+s20], $0x4000, s22, s20, $0x38;
	[tilespmem:$0x10100] =	vst v63  }
0x4f: {  	p1 =	sge.u32 s31, s5  }
.Ltmp2:
0x50: {  	_ = 	snop;
	(pc) =	sbr.rel @p1 .LBB1_5-.Ltmp2, $1  }
0x51: {  	_ =	sdelay $0x3  }
0x52: {  	s19 =	simm.s32 $0x1  }
0x53: {  	_ =	swait.ge [sflag:s4], $0x4000;
	s19 =	simm.s32 @!p0 $0x0  }
0x54: {  	[sflag:s4] =	ssyncset.done $0x0;
	s20 =	sshll.u32 s19, $0xE  }
0x55: {  	[sflag:s4] =	ssyncadd.s32 $0xFFFFC000;
	s20 =	sor.u32 $0x40, s20  }
0x56: {  	s19 =	smul.u32 $0x10200, s19;
	v0 =	vld [tilespmem:s20+$0x30]  }
0x57: {  	v1 =	vld [tilespmem:s20+$0xFFFFFFD0]  }
0x58: {  	s19 =	sshrl.u32 s19, $0x2;
	v5 =	vld [tilespmem:s20+$0xFFFFFFE0]  }
0x59: {  	v6 =	vld [tilespmem:s20+$0xFFFFFFF0];
	s22 =	sor.u32 $0x8000, s19  }
0x5a: {  	s31 =	sand.u32 $0x1, s15;
	v4 =	vld [tilespmem:s20+$0x0];
	s21 =	sadd.s32 $0x0, s22  }
0x5b: {  	v3 =	vld [tilespmem:s20+$0x10];
	s19 =	smul.u32 $0x10200, s31;
	[tilespmem:s21+$0x3870 ss:$0x81] =	vst.msk $0xffff, v0  }
0x5c: {  	v2 =	vld [tilespmem:s20+$0x20];
	[tilespmem:s21+$0x810 ss:$0x81] =	vst.msk $0xffff, v1  }
0x5d: {  	s19 =	sshrl.u32 s19, $0x2;
	v1 =	vld [tilespmem:s20+$0xFFFFFFC0];
	[tilespmem:s21+$0x1020 ss:$0x81] =	vst.msk $0xffff, v5;
	s20 =	sadd.s32 $0x80, s20  }
0x5e: {  	s23 =	simm.s32 $0x4;
	s24 =	simm.s32 $0x8;
	s19 =	sor.u32 $0x8000, s19;
	[tilespmem:s21+$0x1830 ss:$0x81] =	vst.msk $0xffff, v6;
	v0 =	vld [tilespmem:s20+$0x30]  }
.LBB1_3:
0x5f: {  	p1 =	sne.s32 s24, $0x1FC;
	v5 =	vld [tilespmem:s20+$0xFFFFFFD0];
	[tilespmem:s21+$0x2040 ss:$0x81] =	vst.msk $0xffff, v4  }
0x60: {  	v6 =	vld [tilespmem:s20+$0xFFFFFFE0];
	[tilespmem:s21+$0x2850 ss:$0x81] =	vst.msk $0xffff, v3  }
0x61: {  	s25 =	sshra.s32 s23, $0x2;
	s23 =	smov.u32 s24;
	v7 =	vld [tilespmem:s20+$0xFFFFFFF0];
	[tilespmem:s21+$0x3060 ss:$0x81] =	vst.msk $0xffff, v2  }
.Ltmp3:
0x62: {  	v4 =	vld [tilespmem:s20+$0x0];
	[tilespmem:s21+$0x0 ss:$0x81] =	vst.msk $0xffff, v1;
	s21 =	sadd.s32 s25, s22;
	(pc) =	sbr.rel @p1 .LBB1_3-.Ltmp3, $4  }
0x63: {  	v3 =	vld [tilespmem:s20+$0x10];
	[tilespmem:s21+$0x3870 ss:$0x81] =	vst.msk $0xffff, v0  }
0x64: {  	[tilespmem:s21+$0x810 ss:$0x81] =	vst.msk $0xffff, v5;
	v2 =	vld [tilespmem:s20+$0x20]  }
0x65: {  	v1 =	vld [tilespmem:s20+$0xFFFFFFC0];
	[tilespmem:s21+$0x1020 ss:$0x81] =	vst.msk $0xffff, v6;
	s20 =	sadd.s32 $0x80, s20  }
0x66: {  	s24 =	sadd.s32 $0x4, s24;
	v0 =	vld [tilespmem:s20+$0x30];
	[tilespmem:s21+$0x1830 ss:$0x81] =	vst.msk $0xffff, v7  }
.Ltmp4:
0x67: {  	_ = 	snop;
	(pc) =	sbr.rel .LBB1_4-.Ltmp4, $1  }
0x68: {  	_ =	sdelay $0x3  }
.LBB1_6:
0x69: {  	_ =	sfence.sel $0x180000  }
0x6a: {  	s2 =	simm.s32 $0x1;
	[bflag:$0x0] =	sbarrier.arrive $0xFFFF  }
0x6b: {  	s31 =	simm.s32 $0x2;
	[sflag:s2] =	ssyncpa.u1 $0x1  }
0x6c: {  	[sflag:s31] =	ssyncpa.u1 $0x1  }
0x6d: {  	p0 =	sne.s32 s0, $0x0;
	_ =	strace $0x9000004A  }
0x6e: {  	s0 =	sadd.s32 @!p0 $0x100000, s1;
	[bflag:$0x2] =	sbarrier.arrive $0xFFFF  }
0x6f: {  	[sflag:s0] =	ssyncadd.tile.s32 @!p0 $0x1;
	_ =	shalt  }
.Lfunc_end1:
_tile_overlayer_lowered:
.L_overlay_start_2:
0x70: {  	(tag) =	ssettag $0x2  }
0x71: {  	s0 =	rddreg [dreg:$0x0];
	s2 =	stileid.u32  }
0x72: {  	s1 =	rddreg [dreg:$0x1];
	p0 =	sne.s32 s2, $0x0  }
0x73: {  	s3 =	rddreg [dreg:$0x2];
	[bflag:$0x3] =	sbarrier.arrive $0xFFFF;
	s2 =	simm.s32 @!p0 $0x1C01  }
0x74: {  	[timem:s3], [sflag:s2] =	dma.local @!p0 [hbm:s0], s1  }
0x75: {  	s0 =	simm.s32 @!p0 $0x1  }
0x76: {  	_ =	swait.ge @!p0 [sflag:s0], s1  }
0x77: {  	s1 =	ssub.s32 @!p0 $0x0, s1;
	[sflag:s0] =	ssyncset.done @!p0 $0x0  }
0x78: {  	[sflag:s0] =	ssyncadd.s32 @!p0 s1  }
0x79: {  	[bflag:$0x3] =	sbarrier.arrive $0xFFFF  }
0x7a: {  	_ =	shalt  }

</sc_bundles>
